<compile_context>
chip_gen: v7x
topology: tpu7x:2x2x1
jax: 0.10.2.dev20260603
libtpu: 0.0.44.dev20260713+nightly
codegen_flags: <defaults>
</compile_context>

<pallas_src>
import functools

import jax
import jax.numpy as jnp
from jax import lax
from jax.experimental import pallas as pl
from jax.experimental.pallas import tpu as pltpu
from jax.experimental.pallas import tpu_sc as plsc

EXTENT = 0.1
K = 15
ROW = 48
MT = 128
CH = 128


SCH = 512


def _sc_gather(table, flat_idx, num_rows):
    info = plsc.get_sparse_core_info()
    nw = info.num_cores * info.num_subcores
    ew = num_rows // nw
    n_super = ew // SCH
    n_tbl = table.shape[0]
    tpt = n_tbl // info.num_subcores
    mesh = plsc.VectorSubcoreMesh(core_axis_name="c", subcore_axis_name="s")

    @functools.partial(
        pl.kernel,
        out_type=jax.ShapeDtypeStruct((num_rows, ROW), jnp.float32),
        mesh=mesh,
        compiler_params=pltpu.CompilerParams(use_tc_tiling_on_sc=False),
        scratch_types=[
            pltpu.VMEM((2, SCH), jnp.int32),
            pltpu.VMEM((2, SCH, ROW), jnp.float32),
            pltpu.VMEM_SHARED((n_tbl, ROW), jnp.float32),
            pltpu.SemaphoreType.DMA,
            [pltpu.SemaphoreType.DMA] * 2,
        ],
    )
    def gather_k(table_hbm, idx_hbm, out_hbm, idx_v, rows_v, tbl_s, sem_g,
                 sem_w):
        wid = lax.axis_index("s") * info.num_cores + lax.axis_index("c")
        base = wid * ew
        t0 = lax.axis_index("s") * tpt

        @pl.loop(0, tpt, step=256)
        def _(c):
            pltpu.sync_copy(table_hbm.at[pl.ds(t0 + c, 256)],
                            rows_v.at[0, pl.ds(0, 256)])
            pltpu.sync_copy(rows_v.at[0, pl.ds(0, 256)],
                            tbl_s.at[pl.ds(t0 + c, 256)])
        plsc.subcore_barrier()

        @pl.loop(0, n_super, step=2)
        def _(i0):
            for b in range(2):
                i = i0 + b
                off = base + i * SCH

                @pl.when(i >= 2)
                def _():
                    pltpu.make_async_copy(
                        rows_v.at[b], out_hbm.at[pl.ds(base, SCH)],
                        sem_w[b]).wait()
                pltpu.sync_copy(idx_hbm.at[pl.ds(off, SCH)], idx_v.at[b])
                descs = [
                    pltpu.async_copy(
                        tbl_s.at[idx_v.at[b, pl.ds(j * CH, CH)]],
                        rows_v.at[b, pl.ds(j * CH, CH)], sem_g)
                    for j in range(SCH // CH)
                ]
                for d in descs:
                    d.wait()
                pltpu.async_copy(rows_v.at[b], out_hbm.at[pl.ds(off, SCH)],
                                 sem_w[b])

        for b in range(2):
            pltpu.make_async_copy(rows_v.at[b],
                                  out_hbm.at[pl.ds(base, SCH)],
                                  sem_w[b]).wait()

    return gather_k(table, flat_idx)


NSH = 1


def _tc_body(*refs):
    g_refs = refs[:NSH]
    q_ref, m1_ref, m2_ref, sel_ref, kv_ref, out_ref, wf_ref = refs[NSH:]
    pp = 32 // NSH
    gts = [g[...] for g in g_refs]
    def _unpack(words):
        u = lax.bitcast_convert_type(words, jnp.uint32)
        lo = lax.bitcast_convert_type(u << 16, jnp.float32)
        hi = lax.bitcast_convert_type(u & jnp.uint32(0xFFFF0000), jnp.float32)
        return lo, hi

    feats = [_unpack(gt[:, :, :32]) for gt in gts]
    feat2 = [jnp.concatenate([lo, hi, lo, hi], axis=2) for lo, hi in feats]
    qb = q_ref[...][None, :, :]
    rel = jnp.concatenate(
        [(gt[:, :, 32:48] - qb).reshape(pp * MT, 16) for gt in gts], axis=0)
    d2 = (jnp.dot(rel, m1_ref[...], preferred_element_type=jnp.float32)
          + jnp.dot(rel * rel, m2_ref[...],
                    preferred_element_type=jnp.float32))
    w = jnp.maximum(1.0 - (d2 * lax.rsqrt(d2)) * (1.0 / EXTENT), 0.0)
    for j in range(8):
        wj = jnp.dot(w, sel_ref[:, j * 128:(j + 1) * 128],
                     preferred_element_type=jnp.float32)
        wjs = wj.reshape(NSH, 32 // NSH, MT, 128)
        acc = jnp.sum(wjs[0] * feat2[0], axis=0)
        for s in range(1, NSH):
            acc = acc + jnp.sum(wjs[s] * feat2[s], axis=0)
        wf_ref[:, j * 128:(j + 1) * 128] = acc
    out_ref[...] = jnp.dot(wf_ref[...], kv_ref[...],
                           preferred_element_type=jnp.float32)


def kernel(points, features, output_points, neighbor_indices, k_points, k_values):
    B, N, _ = points.shape
    _, M, NN = neighbor_indices.shape
    F = features.shape[-1]
    C = k_values.shape[-1]

    P = B * M
    PT = ((P + SCH - 1) // SCH) * SCH
    EP = PT * NN

    flo = lax.bitcast_convert_type(
        features.reshape(B * N, F)[:, :32].astype(jnp.bfloat16),
        jnp.uint16).astype(jnp.uint32)
    fhi = lax.bitcast_convert_type(
        features.reshape(B * N, F)[:, 32:].astype(jnp.bfloat16),
        jnp.uint16).astype(jnp.uint32)
    fpk = lax.bitcast_convert_type(flo | (fhi << 16), jnp.float32)
    table = jnp.concatenate(
        [fpk, points.reshape(B * N, 3),
         jnp.ones((B * N, 1), jnp.float32),
         jnp.zeros((B * N, 12), jnp.float32)], axis=1)
    tbl_pad = ((B * N + 16 * 256 - 1) // (16 * 256)) * 16 * 256
    table = jnp.pad(table, ((0, tbl_pad - B * N), (0, 0)))

    flat_idx = (neighbor_indices
                + (jnp.arange(B, dtype=jnp.int32) * N)[:, None, None])
    flat_idx = flat_idx.reshape(B * M, NN)
    flat_idx = jnp.pad(flat_idx, ((0, PT - B * M), (0, 0)))
    flat_idx = flat_idx.T.reshape(EP)

    ES = EP // NSH
    gs = [_sc_gather(table, lax.dynamic_slice(flat_idx, (s * ES,), (ES,)), ES)
          for s in range(NSH)]

    q = jnp.pad(output_points.reshape(P, 3), ((0, PT - P), (0, 13)))
    kp16 = jnp.pad(k_points, ((0, 16 - K), (0, 0)))
    m1 = jnp.zeros((16, 16), jnp.float32)
    m1 = m1.at[0:3, :].set(-2.0 * kp16.T)
    m1 = m1.at[3, :].set(jnp.sum(kp16 * kp16, axis=1) + 1e-12)
    m2 = jnp.zeros((16, 16), jnp.float32).at[0:3, :].set(1.0)
    sel = jnp.repeat(jnp.eye(16, dtype=jnp.float32), 64, axis=1)
    kv16 = jnp.pad(k_values, ((0, 16 - K), (0, 0), (0, 0))).reshape(16 * F, C)

    n_tiles = PT // MT
    out = pl.pallas_call(
        _tc_body,
        grid=(n_tiles,),
        in_specs=[
            *[pl.BlockSpec((NN // NSH, MT, ROW), lambda i: (0, i, 0))
              for _ in range(NSH)],
            pl.BlockSpec((MT, 16), lambda i: (i, 0)),
            pl.BlockSpec((16, 16), lambda i: (0, 0)),
            pl.BlockSpec((16, 16), lambda i: (0, 0)),
            pl.BlockSpec((16, 16 * F), lambda i: (0, 0)),
            pl.BlockSpec((16 * F, C), lambda i: (0, 0)),
        ],
        out_specs=pl.BlockSpec((MT, C), lambda i: (i, 0)),
        out_shape=jax.ShapeDtypeStruct((PT, C), jnp.float32),
        scratch_shapes=[pltpu.VMEM((MT, 16 * F), jnp.float32)],
    )(*[gg.reshape(NN // NSH, PT, ROW) for gg in gs], q, m1, m2, sel, kv16)

    return out[:P].reshape(B, M, C)

# --- scband reference (transcript-rebuilt; emitter-appended) ---
"""Pipeline reference for scband-kpconv-layer-73014444032162 (READ-ONLY COPY).

The authoritative reference and input builder live on the scoring server;
editing this copy changes nothing except your own understanding.
"""

import jax, jax.numpy as jnp
import numpy as np

EXTENT = 0.1
K = 15

def _kernel_points(k, radius):
    # deterministic stand-in for load_kernels(): k points in a ball of given radius,
    # with the first point fixed at the center (fixed='center')
    rng = np.random.RandomState(0)
    d = rng.randn(k, 3)
    d = d / (np.linalg.norm(d, axis=1, keepdims=True) + 1e-9)
    r = rng.rand(k, 1) ** (1.0 / 3.0)
    pts = d * r * radius
    pts[0, :] = 0.0
    return pts.astype(np.float32)

def setup_inputs(seed: int = 0):
    key = jax.random.key(seed)
    k1, k2, k3, k4, k5 = jax.random.split(key, 5)
    B, N, M, NN, F, C = 2, 10000, 10000, 32, 64, 64
    points = jax.random.uniform(k1, (B, N, 3), dtype=jnp.float32)
    features = jax.random.normal(k2, (B, N, F), dtype=jnp.float32)
    output_points = jax.random.uniform(k3, (B, M, 3), dtype=jnp.float32)
    neighbor_indices = jax.random.randint(k4, (B, M, NN), 0, N, dtype=jnp.int32)
    k_points = jnp.asarray(_kernel_points(K, 1.5 * EXTENT))
    k_values = jax.random.normal(k5, (K, F, C), dtype=jnp.float32) * 0.05
    return {"points": points, "features": features, "output_points": output_points,
            "neighbor_indices": neighbor_indices, "k_points": k_points, "k_values": k_values}

def reference(points, features, output_points, neighbor_indices, k_points, k_values):
    extent = EXTENT
    gather = jax.vmap(lambda arr, idx: jnp.take(arr, idx, axis=0))
    # [B, M, NN, 3]: gather neighbor coordinates per batch (batch_dims=1)
    neighbors = gather(points, neighbor_indices)
    neighbors = neighbors - output_points[:, :, None, :]
    # [B, M, NN, K, 3]: offsets to each kernel point
    differences = neighbors[:, :, :, None, :] - k_points[None, None, None, :, :]
    sq_distances = jnp.sum(jnp.square(differences), axis=-1)
    # linear influence
    all_weights = jnp.maximum(1.0 - jnp.sqrt(sq_distances + 1e-12) / extent, 0.0)
    all_weights = jnp.transpose(all_weights, (0, 1, 3, 2))  # [B, M, K, NN]
    neighbor_features = gather(features, neighbor_indices)  # [B, M, NN, F]
    weighted_features = jnp.matmul(all_weights, neighbor_features)  # [B, M, K, F]
    # apply per-kernel-point weight matrices and sum over kernel points -> [B, M, C]
    output_features = jnp.einsum('bmkf,kfc->bmc', weighted_features, k_values)
    return output_features

if __name__ == "__main__":
    import jax
    _d = setup_inputs()
    print(jax.jit(kernel)(*tuple(_d.values())))

</pallas_src>

<mosaic_0001>
#map = affine_map<(d0, d1) -> (0, 0)>
#map1 = affine_map<(d0, d1) -> (0)>
module attributes {stable_mosaic.version = 14 : i64} {
  func.func @gather_k(%arg0: i32, %arg1: i32, %arg2: memref<20480x48xf32, #tpu.memory_space<hbm>>, %arg3: memref<655360xi32, #tpu.memory_space<hbm>>, %arg4: memref<655360x48xf32, #tpu.memory_space<hbm>>, %arg5: memref<2x512xi32, #tpu.memory_space<vmem>>, %arg6: memref<2x512x48xf32, #tpu.memory_space<vmem>>, %arg7: memref<20480x48xf32, #tpu.memory_space<vmem_shared>>, %arg8: memref<!tpu.dma_semaphore, #tpu.memory_space<semaphore_mem>>, %arg9: memref<!tpu.dma_semaphore, #tpu.memory_space<semaphore_mem>>, %arg10: memref<!tpu.dma_semaphore, #tpu.memory_space<semaphore_mem>>) attributes {dimension_semantics = [#tpu.dimension_semantics<core_parallel>, #tpu.dimension_semantics<subcore_parallel>], iteration_bounds = array<i64: 2, 16>, scalar_prefetch = 0 : i64, scratch_operands = 6 : i64, tpu.core_type = #tpu.core_type<sc_vector_subcore>, window_params = [{transform_indices = #map}, {transform_indices = #map1}, {transform_indices = #map}]} {
    %mul3A = arith.constant 2 : i32
    %mul3A_0 = arith.muli %arg1, %mul3A : i32
    %add3A = arith.addi %mul3A_0, %arg0 : i32
    %mul3A_1 = arith.constant 20480 : i32
    %mul3A_2 = arith.muli %add3A, %mul3A_1 : i32
    %mul3A_3 = arith.constant 1280 : i32
    %mul3A_4 = arith.muli %arg1, %mul3A_3 : i32
    %scan3A = arith.constant 0 : i32
    %scan3A_5 = arith.constant 5 : i32
    %scan3A_6 = arith.addi %scan3A, %scan3A_5 : i32
    %scan3A_7 = arith.constant 1 : i32
    scf.for %scan3A_39 = %scan3A to %scan3A_6 step %scan3A_7  : i32 {
      %mul3A_40 = arith.constant 256 : i32
      %mul3A_41 = arith.muli %scan3A_39, %mul3A_40 : i32
      %add3A_42 = arith.constant 0 : i32
      %add3A_43 = arith.addi %add3A_42, %mul3A_41 : i32
      %add3A_44 = arith.addi %mul3A_4, %add3A_43 : i32
      %run_scoped3A = arith.constant 0 : i32
      "tpu.region"() ({
        %run_scoped3A_47 = tpu.sem_alloc : memref<!tpu.dma_semaphore, #tpu.memory_space<semaphore_mem>>
        %dma_start3A = arith.constant 0 : i32
        %dma_start3A_48 = arith.constant 0 : i32
        %dma_start3A_49 = tpu.memref_slice %arg6[%run_scoped3A, %dma_start3A, %dma_start3A_48] : memref<2x512x48xf32, #tpu.memory_space<vmem>> -> memref<1x256x48xf32, #tpu.memory_space<vmem>>
        %dma_start3A_50 = tpu.memref_squeeze %dma_start3A_49 : memref<1x256x48xf32, #tpu.memory_space<vmem>> -> memref<256x48xf32, #tpu.memory_space<vmem>>
        %dma_start3A_51 = arith.constant 0 : i32
        %dma_start3A_52 = tpu.memref_slice %arg2[%add3A_44, %dma_start3A_51] : memref<20480x48xf32, #tpu.memory_space<hbm>> -> memref<256x48xf32, #tpu.memory_space<hbm>>
        %dma_start3A_53 = arith.constant 0 : i32
        %dma_start3A_54 = arith.constant 0 : i32
        %dma_start3A_55 = tpu.memref_slice %arg6[%run_scoped3A, %dma_start3A_53, %dma_start3A_54] : memref<2x512x48xf32, #tpu.memory_space<vmem>> -> memref<1x256x48xf32, #tpu.memory_space<vmem>>
        %dma_start3A_56 = tpu.memref_squeeze %dma_start3A_55 : memref<1x256x48xf32, #tpu.memory_space<vmem>> -> memref<256x48xf32, #tpu.memory_space<vmem>>
        %dma_start3A_57 = arith.constant 0 : i32
        %dma_start3A_58 = tpu.memref_slice %arg2[%add3A_44, %dma_start3A_57] : memref<20480x48xf32, #tpu.memory_space<hbm>> -> memref<256x48xf32, #tpu.memory_space<hbm>>
        tpu.enqueue_dma source(%dma_start3A_58 : memref<256x48xf32, #tpu.memory_space<hbm>>) target(%dma_start3A_56 : memref<256x48xf32, #tpu.memory_space<vmem>>) target_semaphore(%run_scoped3A_47 : memref<!tpu.dma_semaphore, #tpu.memory_space<semaphore_mem>>)
        %dma_wait3A_59 = arith.constant 0 : i32
        %dma_wait3A_60 = arith.constant 0 : i32
        %dma_wait3A_61 = tpu.memref_slice %arg6[%run_scoped3A, %dma_wait3A_59, %dma_wait3A_60] : memref<2x512x48xf32, #tpu.memory_space<vmem>> -> memref<1x256x48xf32, #tpu.memory_space<vmem>>
        %dma_wait3A_62 = tpu.memref_squeeze %dma_wait3A_61 : memref<1x256x48xf32, #tpu.memory_space<vmem>> -> memref<256x48xf32, #tpu.memory_space<vmem>>
        %dma_wait3A_63 = arith.constant 0 : i32
        %dma_wait3A_64 = tpu.memref_slice %arg2[%add3A_44, %dma_wait3A_63] : memref<20480x48xf32, #tpu.memory_space<hbm>> -> memref<256x48xf32, #tpu.memory_space<hbm>>
        %dma_wait3A_65 = arith.constant 0 : i32
        %dma_wait3A_66 = arith.constant 0 : i32
        %dma_wait3A_67 = tpu.memref_slice %arg6[%run_scoped3A, %dma_wait3A_65, %dma_wait3A_66] : memref<2x512x48xf32, #tpu.memory_space<vmem>> -> memref<1x256x48xf32, #tpu.memory_space<vmem>>
        %dma_wait3A_68 = tpu.memref_squeeze %dma_wait3A_67 : memref<1x256x48xf32, #tpu.memory_space<vmem>> -> memref<256x48xf32, #tpu.memory_space<vmem>>
        %dma_wait3A_69 = arith.constant 0 : i32
        %dma_wait3A_70 = tpu.memref_slice %arg2[%add3A_44, %dma_wait3A_69] : memref<20480x48xf32, #tpu.memory_space<hbm>> -> memref<256x48xf32, #tpu.memory_space<hbm>>
        tpu.wait_dma2 semaphore(%run_scoped3A_47 : memref<!tpu.dma_semaphore, #tpu.memory_space<semaphore_mem>>) src(%dma_wait3A_70 : memref<256x48xf32, #tpu.memory_space<hbm>>) dst(%dma_wait3A_68 : memref<256x48xf32, #tpu.memory_space<vmem>>)
        tpu.yield
      }) : () -> ()
      %add3A_45 = arith.addi %mul3A_4, %add3A_43 : i32
      %run_scoped3A_46 = arith.constant 0 : i32
      "tpu.region"() ({
        %run_scoped3A_47 = tpu.sem_alloc : memref<!tpu.dma_semaphore, #tpu.memory_space<semaphore_mem>>
        %dma_start3A = arith.constant 0 : i32
        %dma_start3A_48 = arith.constant 0 : i32
        %dma_start3A_49 = tpu.memref_slice %arg6[%run_scoped3A_46, %dma_start3A, %dma_start3A_48] : memref<2x512x48xf32, #tpu.memory_space<vmem>> -> memref<1x256x48xf32, #tpu.memory_space<vmem>>
        %dma_start3A_50 = tpu.memref_squeeze %dma_start3A_49 : memref<1x256x48xf32, #tpu.memory_space<vmem>> -> memref<256x48xf32, #tpu.memory_space<vmem>>
        %dma_start3A_51 = arith.constant 0 : i32
        %dma_start3A_52 = tpu.memref_slice %arg7[%add3A_45, %dma_start3A_51] : memref<20480x48xf32, #tpu.memory_space<vmem_shared>> -> memref<256x48xf32, #tpu.memory_space<vmem_shared>>
        %dma_start3A_53 = arith.constant 0 : i32
        %dma_start3A_54 = tpu.memref_slice %arg7[%add3A_45, %dma_start3A_53] : memref<20480x48xf32, #tpu.memory_space<vmem_shared>> -> memref<256x48xf32, #tpu.memory_space<vmem_shared>>
        %dma_start3A_55 = arith.constant 0 : i32
        %dma_start3A_56 = arith.constant 0 : i32
        %dma_start3A_57 = tpu.memref_slice %arg6[%run_scoped3A_46, %dma_start3A_55, %dma_start3A_56] : memref<2x512x48xf32, #tpu.memory_space<vmem>> -> memref<1x256x48xf32, #tpu.memory_space<vmem>>
        %dma_start3A_58 = tpu.memref_squeeze %dma_start3A_57 : memref<1x256x48xf32, #tpu.memory_space<vmem>> -> memref<256x48xf32, #tpu.memory_space<vmem>>
        tpu.enqueue_dma source(%dma_start3A_58 : memref<256x48xf32, #tpu.memory_space<vmem>>) target(%dma_start3A_54 : memref<256x48xf32, #tpu.memory_space<vmem_shared>>) target_semaphore(%run_scoped3A_47 : memref<!tpu.dma_semaphore, #tpu.memory_space<semaphore_mem>>)
        %dma_wait3A_59 = arith.constant 0 : i32
        %dma_wait3A_60 = arith.constant 0 : i32
        %dma_wait3A_61 = tpu.memref_slice %arg6[%run_scoped3A_46, %dma_wait3A_59, %dma_wait3A_60] : memref<2x512x48xf32, #tpu.memory_space<vmem>> -> memref<1x256x48xf32, #tpu.memory_space<vmem>>
        %dma_wait3A_62 = tpu.memref_squeeze %dma_wait3A_61 : memref<1x256x48xf32, #tpu.memory_space<vmem>> -> memref<256x48xf32, #tpu.memory_space<vmem>>
        %dma_wait3A_63 = arith.constant 0 : i32
        %dma_wait3A_64 = tpu.memref_slice %arg7[%add3A_45, %dma_wait3A_63] : memref<20480x48xf32, #tpu.memory_space<vmem_shared>> -> memref<256x48xf32, #tpu.memory_space<vmem_shared>>
        %dma_wait3A_65 = arith.constant 0 : i32
        %dma_wait3A_66 = tpu.memref_slice %arg7[%add3A_45, %dma_wait3A_65] : memref<20480x48xf32, #tpu.memory_space<vmem_shared>> -> memref<256x48xf32, #tpu.memory_space<vmem_shared>>
        %dma_wait3A_67 = arith.constant 0 : i32
        %dma_wait3A_68 = arith.constant 0 : i32
        %dma_wait3A_69 = tpu.memref_slice %arg6[%run_scoped3A_46, %dma_wait3A_67, %dma_wait3A_68] : memref<2x512x48xf32, #tpu.memory_space<vmem>> -> memref<1x256x48xf32, #tpu.memory_space<vmem>>
        %dma_wait3A_70 = tpu.memref_squeeze %dma_wait3A_69 : memref<1x256x48xf32, #tpu.memory_space<vmem>> -> memref<256x48xf32, #tpu.memory_space<vmem>>
        tpu.wait_dma2 semaphore(%run_scoped3A_47 : memref<!tpu.dma_semaphore, #tpu.memory_space<semaphore_mem>>) src(%dma_wait3A_70 : memref<256x48xf32, #tpu.memory_space<vmem>>) dst(%dma_wait3A_66 : memref<256x48xf32, #tpu.memory_space<vmem_shared>>)
        tpu.yield
      }) : () -> ()
    }
    %scan3A_8 = arith.constant 5 : i32
    %barrier3A = arith.constant 0 : index
    tpu.barrier barrier_id(%barrier3A)
    %scan3A_9 = arith.constant 0 : i32
    %scan3A_10 = arith.constant 20 : i32
    %scan3A_11 = arith.addi %scan3A_9, %scan3A_10 : i32
    %scan3A_12 = arith.constant 1 : i32
    scf.for %scan3A_39 = %scan3A_9 to %scan3A_11 step %scan3A_12  : i32 {
      %mul3A_40 = arith.constant 2 : i32
      %mul3A_41 = arith.muli %scan3A_39, %mul3A_40 : i32
      %add3A_42 = arith.constant 0 : i32
      %add3A_43 = arith.addi %add3A_42, %mul3A_41 : i32
      %add3A_44 = arith.constant 0 : i32
      %add3A_45 = arith.addi %add3A_43, %add3A_44 : i32
      %mul3A_46 = arith.constant 512 : i32
      %mul3A_47 = arith.muli %add3A_45, %mul3A_46 : i32
      %add3A_48 = arith.addi %mul3A_2, %mul3A_47 : i32
      %ge3A = arith.constant 2 : i32
      %ge3A_49 = arith.cmpi sge, %add3A_45, %ge3A : i32
      %convert_element_type3A = arith.extui %ge3A_49 : i1 to i32
      %cond3A = arith.constant 0 : i32
      %cond3A_50 = arith.cmpi ne, %convert_element_type3A, %cond3A : i32
      scf.if %cond3A_50 {
        %dma_wait3A_279 = arith.constant 0 : i32
        %dma_wait3A_280 = arith.constant 0 : i32
        %dma_wait3A_281 = arith.constant 0 : i32
        %dma_wait3A_282 = tpu.memref_slice %arg6[%dma_wait3A_279, %dma_wait3A_280, %dma_wait3A_281] : memref<2x512x48xf32, #tpu.memory_space<vmem>> -> memref<1x512x48xf32, #tpu.memory_space<vmem>>
        %dma_wait3A_283 = tpu.memref_squeeze %dma_wait3A_282 : memref<1x512x48xf32, #tpu.memory_space<vmem>> -> memref<512x48xf32, #tpu.memory_space<vmem>>
        %dma_wait3A_284 = arith.constant 0 : i32
        %dma_wait3A_285 = tpu.memref_slice %arg4[%mul3A_2, %dma_wait3A_284] : memref<655360x48xf32, #tpu.memory_space<hbm>> -> memref<512x48xf32, #tpu.memory_space<hbm>>
        %dma_wait3A_286 = arith.constant 0 : i32
        %dma_wait3A_287 = tpu.memref_slice %arg4[%mul3A_2, %dma_wait3A_286] : memref<655360x48xf32, #tpu.memory_space<hbm>> -> memref<512x48xf32, #tpu.memory_space<hbm>>
        %dma_wait3A_288 = arith.constant 0 : i32
        %dma_wait3A_289 = arith.constant 0 : i32
        %dma_wait3A_290 = tpu.memref_slice %arg6[%dma_wait3A_279, %dma_wait3A_288, %dma_wait3A_289] : memref<2x512x48xf32, #tpu.memory_space<vmem>> -> memref<1x512x48xf32, #tpu.memory_space<vmem>>
        %dma_wait3A_291 = tpu.memref_squeeze %dma_wait3A_290 : memref<1x512x48xf32, #tpu.memory_space<vmem>> -> memref<512x48xf32, #tpu.memory_space<vmem>>
        tpu.wait_dma2 semaphore(%arg9 : memref<!tpu.dma_semaphore, #tpu.memory_space<semaphore_mem>>) src(%dma_wait3A_291 : memref<512x48xf32, #tpu.memory_space<vmem>>) dst(%dma_wait3A_287 : memref<512x48xf32, #tpu.memory_space<hbm>>)
      } else {
      }
      %run_scoped3A = arith.constant 0 : i32
      "tpu.region"() ({
        %run_scoped3A_279 = tpu.sem_alloc : memref<!tpu.dma_semaphore, #tpu.memory_space<semaphore_mem>>
        %dma_start3A_280 = arith.constant 0 : i32
        %dma_start3A_281 = tpu.memref_slice %arg5[%run_scoped3A, %dma_start3A_280] : memref<2x512xi32, #tpu.memory_space<vmem>> -> memref<1x512xi32, #tpu.memory_space<vmem>>
        %dma_start3A_282 = tpu.memref_squeeze %dma_start3A_281 : memref<1x512xi32, #tpu.memory_space<vmem>> -> memref<512xi32, #tpu.memory_space<vmem>>
        %dma_start3A_283 = tpu.memref_slice %arg3[%add3A_48] : memref<655360xi32, #tpu.memory_space<hbm>> -> memref<512xi32, #tpu.memory_space<hbm>>
        %dma_start3A_284 = arith.constant 0 : i32
        %dma_start3A_285 = tpu.memref_slice %arg5[%run_scoped3A, %dma_start3A_284] : memref<2x512xi32, #tpu.memory_space<vmem>> -> memref<1x512xi32, #tpu.memory_space<vmem>>
        %dma_start3A_286 = tpu.memref_squeeze %dma_start3A_285 : memref<1x512xi32, #tpu.memory_space<vmem>> -> memref<512xi32, #tpu.memory_space<vmem>>
        %dma_start3A_287 = tpu.memref_slice %arg3[%add3A_48] : memref<655360xi32, #tpu.memory_space<hbm>> -> memref<512xi32, #tpu.memory_space<hbm>>
        tpu.enqueue_dma source(%dma_start3A_287 : memref<512xi32, #tpu.memory_space<hbm>>) target(%dma_start3A_286 : memref<512xi32, #tpu.memory_space<vmem>>) target_semaphore(%run_scoped3A_279 : memref<!tpu.dma_semaphore, #tpu.memory_space<semaphore_mem>>)
        %dma_wait3A_288 = arith.constant 0 : i32
        %dma_wait3A_289 = tpu.memref_slice %arg5[%run_scoped3A, %dma_wait3A_288] : memref<2x512xi32, #tpu.memory_space<vmem>> -> memref<1x512xi32, #tpu.memory_space<vmem>>
        %dma_wait3A_290 = tpu.memref_squeeze %dma_wait3A_289 : memref<1x512xi32, #tpu.memory_space<vmem>> -> memref<512xi32, #tpu.memory_space<vmem>>
        %dma_wait3A_291 = tpu.memref_slice %arg3[%add3A_48] : memref<655360xi32, #tpu.memory_space<hbm>> -> memref<512xi32, #tpu.memory_space<hbm>>
        %dma_wait3A_292 = arith.constant 0 : i32
        %dma_wait3A_293 = tpu.memref_slice %arg5[%run_scoped3A, %dma_wait3A_292] : memref<2x512xi32, #tpu.memory_space<vmem>> -> memref<1x512xi32, #tpu.memory_space<vmem>>
        %dma_wait3A_294 = tpu.memref_squeeze %dma_wait3A_293 : memref<1x512xi32, #tpu.memory_space<vmem>> -> memref<512xi32, #tpu.memory_space<vmem>>
        %dma_wait3A_295 = tpu.memref_slice %arg3[%add3A_48] : memref<655360xi32, #tpu.memory_space<hbm>> -> memref<512xi32, #tpu.memory_space<hbm>>
        tpu.wait_dma2 semaphore(%run_scoped3A_279 : memref<!tpu.dma_semaphore, #tpu.memory_space<semaphore_mem>>) src(%dma_wait3A_295 : memref<512xi32, #tpu.memory_space<hbm>>) dst(%dma_wait3A_294 : memref<512xi32, #tpu.memory_space<vmem>>)
        tpu.yield
      }) : () -> ()
      %dma_start3A = arith.constant 0 : i32
      %dma_start3A_51 = arith.constant 0 : i32
      %dma_start3A_52 = arith.constant 0 : i32
      %dma_start3A_53 = arith.constant 0 : i32
      %dma_start3A_54 = tpu.memref_slice %arg6[%dma_start3A_51, %dma_start3A_52, %dma_start3A_53] : memref<2x512x48xf32, #tpu.memory_space<vmem>> -> memref<1x128x48xf32, #tpu.memory_space<vmem>>
      %dma_start3A_55 = tpu.memref_squeeze %dma_start3A_54 : memref<1x128x48xf32, #tpu.memory_space<vmem>> -> memref<128x48xf32, #tpu.memory_space<vmem>>
      %dma_start3A_56 = arith.constant 0 : i32
      %dma_start3A_57 = tpu.memref_slice %arg5[%dma_start3A, %dma_start3A_56] : memref<2x512xi32, #tpu.memory_space<vmem>> -> memref<1x128xi32, #tpu.memory_space<vmem>>
      %dma_start3A_58 = tpu.memref_squeeze %dma_start3A_57 : memref<1x128xi32, #tpu.memory_space<vmem>> -> memref<128xi32, #tpu.memory_space<vmem>>
      %dma_start3A_59 = arith.constant 0 : i32
      %dma_start3A_60 = arith.constant 0 : i32
      %dma_start3A_61 = tpu.memref_slice %arg7[%dma_start3A_59, %dma_start3A_60] : memref<20480x48xf32, #tpu.memory_space<vmem_shared>> -> memref<20480x48xf32, #tpu.memory_space<vmem_shared>>
      tpu.enqueue_indirect_dma source(%dma_start3A_61 : memref<20480x48xf32, #tpu.memory_space<vmem_shared>>) target(%dma_start3A_55 : memref<128x48xf32, #tpu.memory_space<vmem>>) offsets(%dma_start3A_58 : memref<128xi32, #tpu.memory_space<vmem>>) semaphore(%arg8 : memref<!tpu.dma_semaphore, #tpu.memory_space<semaphore_mem>>)
      %dma_start3A_62 = arith.constant 0 : i32
      %dma_start3A_63 = arith.constant 0 : i32
      %dma_start3A_64 = arith.constant 128 : i32
      %dma_start3A_65 = arith.constant 0 : i32
      %dma_start3A_66 = tpu.memref_slice %arg6[%dma_start3A_63, %dma_start3A_64, %dma_start3A_65] : memref<2x512x48xf32, #tpu.memory_space<vmem>> -> memref<1x128x48xf32, #tpu.memory_space<vmem>>
      %dma_start3A_67 = tpu.memref_squeeze %dma_start3A_66 : memref<1x128x48xf32, #tpu.memory_space<vmem>> -> memref<128x48xf32, #tpu.memory_space<vmem>>
      %dma_start3A_68 = arith.constant 128 : i32
      %dma_start3A_69 = tpu.memref_slice %arg5[%dma_start3A_62, %dma_start3A_68] : memref<2x512xi32, #tpu.memory_space<vmem>> -> memref<1x128xi32, #tpu.memory_space<vmem>>
      %dma_start3A_70 = tpu.memref_squeeze %dma_start3A_69 : memref<1x128xi32, #tpu.memory_space<vmem>> -> memref<128xi32, #tpu.memory_space<vmem>>
      %dma_start3A_71 = arith.constant 0 : i32
      %dma_start3A_72 = arith.constant 0 : i32
      %dma_start3A_73 = tpu.memref_slice %arg7[%dma_start3A_71, %dma_start3A_72] : memref<20480x48xf32, #tpu.memory_space<vmem_shared>> -> memref<20480x48xf32, #tpu.memory_space<vmem_shared>>
      tpu.enqueue_indirect_dma source(%dma_start3A_73 : memref<20480x48xf32, #tpu.memory_space<vmem_shared>>) target(%dma_start3A_67 : memref<128x48xf32, #tpu.memory_space<vmem>>) offsets(%dma_start3A_70 : memref<128xi32, #tpu.memory_space<vmem>>) semaphore(%arg8 : memref<!tpu.dma_semaphore, #tpu.memory_space<semaphore_mem>>)
      %dma_start3A_74 = arith.constant 0 : i32
      %dma_start3A_75 = arith.constant 0 : i32
      %dma_start3A_76 = arith.constant 256 : i32
      %dma_start3A_77 = arith.constant 0 : i32
      %dma_start3A_78 = tpu.memref_slice %arg6[%dma_start3A_75, %dma_start3A_76, %dma_start3A_77] : memref<2x512x48xf32, #tpu.memory_space<vmem>> -> memref<1x128x48xf32, #tpu.memory_space<vmem>>
      %dma_start3A_79 = tpu.memref_squeeze %dma_start3A_78 : memref<1x128x48xf32, #tpu.memory_space<vmem>> -> memref<128x48xf32, #tpu.memory_space<vmem>>
      %dma_start3A_80 = arith.constant 256 : i32
      %dma_start3A_81 = tpu.memref_slice %arg5[%dma_start3A_74, %dma_start3A_80] : memref<2x512xi32, #tpu.memory_space<vmem>> -> memref<1x128xi32, #tpu.memory_space<vmem>>
      %dma_start3A_82 = tpu.memref_squeeze %dma_start3A_81 : memref<1x128xi32, #tpu.memory_space<vmem>> -> memref<128xi32, #tpu.memory_space<vmem>>
      %dma_start3A_83 = arith.constant 0 : i32
      %dma_start3A_84 = arith.constant 0 : i32
      %dma_start3A_85 = tpu.memref_slice %arg7[%dma_start3A_83, %dma_start3A_84] : memref<20480x48xf32, #tpu.memory_space<vmem_shared>> -> memref<20480x48xf32, #tpu.memory_space<vmem_shared>>
      tpu.enqueue_indirect_dma source(%dma_start3A_85 : memref<20480x48xf32, #tpu.memory_space<vmem_shared>>) target(%dma_start3A_79 : memref<128x48xf32, #tpu.memory_space<vmem>>) offsets(%dma_start3A_82 : memref<128xi32, #tpu.memory_space<vmem>>) semaphore(%arg8 : memref<!tpu.dma_semaphore, #tpu.memory_space<semaphore_mem>>)
      %dma_start3A_86 = arith.constant 0 : i32
      %dma_start3A_87 = arith.constant 0 : i32
      %dma_start3A_88 = arith.constant 384 : i32
      %dma_start3A_89 = arith.constant 0 : i32
      %dma_start3A_90 = tpu.memref_slice %arg6[%dma_start3A_87, %dma_start3A_88, %dma_start3A_89] : memref<2x512x48xf32, #tpu.memory_space<vmem>> -> memref<1x128x48xf32, #tpu.memory_space<vmem>>
      %dma_start3A_91 = tpu.memref_squeeze %dma_start3A_90 : memref<1x128x48xf32, #tpu.memory_space<vmem>> -> memref<128x48xf32, #tpu.memory_space<vmem>>
      %dma_start3A_92 = arith.constant 384 : i32
      %dma_start3A_93 = tpu.memref_slice %arg5[%dma_start3A_86, %dma_start3A_92] : memref<2x512xi32, #tpu.memory_space<vmem>> -> memref<1x128xi32, #tpu.memory_space<vmem>>
      %dma_start3A_94 = tpu.memref_squeeze %dma_start3A_93 : memref<1x128xi32, #tpu.memory_space<vmem>> -> memref<128xi32, #tpu.memory_space<vmem>>
      %dma_start3A_95 = arith.constant 0 : i32
      %dma_start3A_96 = arith.constant 0 : i32
      %dma_start3A_97 = tpu.memref_slice %arg7[%dma_start3A_95, %dma_start3A_96] : memref<20480x48xf32, #tpu.memory_space<vmem_shared>> -> memref<20480x48xf32, #tpu.memory_space<vmem_shared>>
      tpu.enqueue_indirect_dma source(%dma_start3A_97 : memref<20480x48xf32, #tpu.memory_space<vmem_shared>>) target(%dma_start3A_91 : memref<128x48xf32, #tpu.memory_space<vmem>>) offsets(%dma_start3A_94 : memref<128xi32, #tpu.memory_space<vmem>>) semaphore(%arg8 : memref<!tpu.dma_semaphore, #tpu.memory_space<semaphore_mem>>)
      %dma_wait3A_98 = arith.constant 0 : i32
      %dma_wait3A_99 = arith.constant 0 : i32
      %dma_wait3A_100 = arith.constant 0 : i32
      %dma_wait3A_101 = arith.constant 0 : i32
      %dma_wait3A_102 = tpu.memref_slice %arg6[%dma_wait3A_99, %dma_wait3A_100, %dma_wait3A_101] : memref<2x512x48xf32, #tpu.memory_space<vmem>> -> memref<1x128x48xf32, #tpu.memory_space<vmem>>
      %dma_wait3A_103 = tpu.memref_squeeze %dma_wait3A_102 : memref<1x128x48xf32, #tpu.memory_space<vmem>> -> memref<128x48xf32, #tpu.memory_space<vmem>>
      %dma_wait3A_104 = arith.constant 0 : i32
      %dma_wait3A_105 = tpu.memref_slice %arg5[%dma_wait3A_98, %dma_wait3A_104] : memref<2x512xi32, #tpu.memory_space<vmem>> -> memref<1x128xi32, #tpu.memory_space<vmem>>
      %dma_wait3A_106 = tpu.memref_squeeze %dma_wait3A_105 : memref<1x128xi32, #tpu.memory_space<vmem>> -> memref<128xi32, #tpu.memory_space<vmem>>
      %dma_wait3A_107 = arith.constant 0 : i32
      %dma_wait3A_108 = arith.constant 0 : i32
      %dma_wait3A_109 = tpu.memref_slice %arg7[%dma_wait3A_107, %dma_wait3A_108] : memref<20480x48xf32, #tpu.memory_space<vmem_shared>> -> memref<20480x48xf32, #tpu.memory_space<vmem_shared>>
      tpu.wait_indirect_dma semaphore(%arg8 : memref<!tpu.dma_semaphore, #tpu.memory_space<semaphore_mem>>) src(%dma_wait3A_109 : memref<20480x48xf32, #tpu.memory_space<vmem_shared>>) dst(%dma_wait3A_103 : memref<128x48xf32, #tpu.memory_space<vmem>>)
      %dma_wait3A_110 = arith.constant 0 : i32
      %dma_wait3A_111 = arith.constant 0 : i32
      %dma_wait3A_112 = arith.constant 128 : i32
      %dma_wait3A_113 = arith.constant 0 : i32
      %dma_wait3A_114 = tpu.memref_slice %arg6[%dma_wait3A_111, %dma_wait3A_112, %dma_wait3A_113] : memref<2x512x48xf32, #tpu.memory_space<vmem>> -> memref<1x128x48xf32, #tpu.memory_space<vmem>>
      %dma_wait3A_115 = tpu.memref_squeeze %dma_wait3A_114 : memref<1x128x48xf32, #tpu.memory_space<vmem>> -> memref<128x48xf32, #tpu.memory_space<vmem>>
      %dma_wait3A_116 = arith.constant 128 : i32
      %dma_wait3A_117 = tpu.memref_slice %arg5[%dma_wait3A_110, %dma_wait3A_116] : memref<2x512xi32, #tpu.memory_space<vmem>> -> memref<1x128xi32, #tpu.memory_space<vmem>>
      %dma_wait3A_118 = tpu.memref_squeeze %dma_wait3A_117 : memref<1x128xi32, #tpu.memory_space<vmem>> -> memref<128xi32, #tpu.memory_space<vmem>>
      %dma_wait3A_119 = arith.constant 0 : i32
      %dma_wait3A_120 = arith.constant 0 : i32
      %dma_wait3A_121 = tpu.memref_slice %arg7[%dma_wait3A_119, %dma_wait3A_120] : memref<20480x48xf32, #tpu.memory_space<vmem_shared>> -> memref<20480x48xf32, #tpu.memory_space<vmem_shared>>
      tpu.wait_indirect_dma semaphore(%arg8 : memref<!tpu.dma_semaphore, #tpu.memory_space<semaphore_mem>>) src(%dma_wait3A_121 : memref<20480x48xf32, #tpu.memory_space<vmem_shared>>) dst(%dma_wait3A_115 : memref<128x48xf32, #tpu.memory_space<vmem>>)
      %dma_wait3A_122 = arith.constant 0 : i32
      %dma_wait3A_123 = arith.constant 0 : i32
      %dma_wait3A_124 = arith.constant 256 : i32
      %dma_wait3A_125 = arith.constant 0 : i32
      %dma_wait3A_126 = tpu.memref_slice %arg6[%dma_wait3A_123, %dma_wait3A_124, %dma_wait3A_125] : memref<2x512x48xf32, #tpu.memory_space<vmem>> -> memref<1x128x48xf32, #tpu.memory_space<vmem>>
      %dma_wait3A_127 = tpu.memref_squeeze %dma_wait3A_126 : memref<1x128x48xf32, #tpu.memory_space<vmem>> -> memref<128x48xf32, #tpu.memory_space<vmem>>
      %dma_wait3A_128 = arith.constant 256 : i32
      %dma_wait3A_129 = tpu.memref_slice %arg5[%dma_wait3A_122, %dma_wait3A_128] : memref<2x512xi32, #tpu.memory_space<vmem>> -> memref<1x128xi32, #tpu.memory_space<vmem>>
      %dma_wait3A_130 = tpu.memref_squeeze %dma_wait3A_129 : memref<1x128xi32, #tpu.memory_space<vmem>> -> memref<128xi32, #tpu.memory_space<vmem>>
      %dma_wait3A_131 = arith.constant 0 : i32
      %dma_wait3A_132 = arith.constant 0 : i32
      %dma_wait3A_133 = tpu.memref_slice %arg7[%dma_wait3A_131, %dma_wait3A_132] : memref<20480x48xf32, #tpu.memory_space<vmem_shared>> -> memref<20480x48xf32, #tpu.memory_space<vmem_shared>>
      tpu.wait_indirect_dma semaphore(%arg8 : memref<!tpu.dma_semaphore, #tpu.memory_space<semaphore_mem>>) src(%dma_wait3A_133 : memref<20480x48xf32, #tpu.memory_space<vmem_shared>>) dst(%dma_wait3A_127 : memref<128x48xf32, #tpu.memory_space<vmem>>)
      %dma_wait3A_134 = arith.constant 0 : i32
      %dma_wait3A_135 = arith.constant 0 : i32
      %dma_wait3A_136 = arith.constant 384 : i32
      %dma_wait3A_137 = arith.constant 0 : i32
      %dma_wait3A_138 = tpu.memref_slice %arg6[%dma_wait3A_135, %dma_wait3A_136, %dma_wait3A_137] : memref<2x512x48xf32, #tpu.memory_space<vmem>> -> memref<1x128x48xf32, #tpu.memory_space<vmem>>
      %dma_wait3A_139 = tpu.memref_squeeze %dma_wait3A_138 : memref<1x128x48xf32, #tpu.memory_space<vmem>> -> memref<128x48xf32, #tpu.memory_space<vmem>>
      %dma_wait3A_140 = arith.constant 384 : i32
      %dma_wait3A_141 = tpu.memref_slice %arg5[%dma_wait3A_134, %dma_wait3A_140] : memref<2x512xi32, #tpu.memory_space<vmem>> -> memref<1x128xi32, #tpu.memory_space<vmem>>
      %dma_wait3A_142 = tpu.memref_squeeze %dma_wait3A_141 : memref<1x128xi32, #tpu.memory_space<vmem>> -> memref<128xi32, #tpu.memory_space<vmem>>
      %dma_wait3A_143 = arith.constant 0 : i32
      %dma_wait3A_144 = arith.constant 0 : i32
      %dma_wait3A_145 = tpu.memref_slice %arg7[%dma_wait3A_143, %dma_wait3A_144] : memref<20480x48xf32, #tpu.memory_space<vmem_shared>> -> memref<20480x48xf32, #tpu.memory_space<vmem_shared>>
      tpu.wait_indirect_dma semaphore(%arg8 : memref<!tpu.dma_semaphore, #tpu.memory_space<semaphore_mem>>) src(%dma_wait3A_145 : memref<20480x48xf32, #tpu.memory_space<vmem_shared>>) dst(%dma_wait3A_139 : memref<128x48xf32, #tpu.memory_space<vmem>>)
      %dma_start3A_146 = arith.constant 0 : i32
      %dma_start3A_147 = arith.constant 0 : i32
      %dma_start3A_148 = arith.constant 0 : i32
      %dma_start3A_149 = tpu.memref_slice %arg6[%dma_start3A_146, %dma_start3A_147, %dma_start3A_148] : memref<2x512x48xf32, #tpu.memory_space<vmem>> -> memref<1x512x48xf32, #tpu.memory_space<vmem>>
      %dma_start3A_150 = tpu.memref_squeeze %dma_start3A_149 : memref<1x512x48xf32, #tpu.memory_space<vmem>> -> memref<512x48xf32, #tpu.memory_space<vmem>>
      %dma_start3A_151 = arith.constant 0 : i32
      %dma_start3A_152 = tpu.memref_slice %arg4[%add3A_48, %dma_start3A_151] : memref<655360x48xf32, #tpu.memory_space<hbm>> -> memref<512x48xf32, #tpu.memory_space<hbm>>
      %dma_start3A_153 = arith.constant 0 : i32
      %dma_start3A_154 = tpu.memref_slice %arg4[%add3A_48, %dma_start3A_153] : memref<655360x48xf32, #tpu.memory_space<hbm>> -> memref<512x48xf32, #tpu.memory_space<hbm>>
      %dma_start3A_155 = arith.constant 0 : i32
      %dma_start3A_156 = arith.constant 0 : i32
      %dma_start3A_157 = tpu.memref_slice %arg6[%dma_start3A_146, %dma_start3A_155, %dma_start3A_156] : memref<2x512x48xf32, #tpu.memory_space<vmem>> -> memref<1x512x48xf32, #tpu.memory_space<vmem>>
      %dma_start3A_158 = tpu.memref_squeeze %dma_start3A_157 : memref<1x512x48xf32, #tpu.memory_space<vmem>> -> memref<512x48xf32, #tpu.memory_space<vmem>>
      tpu.enqueue_dma source(%dma_start3A_158 : memref<512x48xf32, #tpu.memory_space<vmem>>) target(%dma_start3A_154 : memref<512x48xf32, #tpu.memory_space<hbm>>) target_semaphore(%arg9 : memref<!tpu.dma_semaphore, #tpu.memory_space<semaphore_mem>>)
      %add3A_159 = arith.constant 1 : i32
      %add3A_160 = arith.addi %add3A_43, %add3A_159 : i32
      %mul3A_161 = arith.constant 512 : i32
      %mul3A_162 = arith.muli %add3A_160, %mul3A_161 : i32
      %add3A_163 = arith.addi %mul3A_2, %mul3A_162 : i32
      %ge3A_164 = arith.constant 2 : i32
      %ge3A_165 = arith.cmpi sge, %add3A_160, %ge3A_164 : i32
      %convert_element_type3A_166 = arith.extui %ge3A_165 : i1 to i32
      %cond3A_167 = arith.constant 0 : i32
      %cond3A_168 = arith.cmpi ne, %convert_element_type3A_166, %cond3A_167 : i32
      scf.if %cond3A_168 {
        %dma_wait3A_279 = arith.constant 1 : i32
        %dma_wait3A_280 = arith.constant 0 : i32
        %dma_wait3A_281 = arith.constant 0 : i32
        %dma_wait3A_282 = tpu.memref_slice %arg6[%dma_wait3A_279, %dma_wait3A_280, %dma_wait3A_281] : memref<2x512x48xf32, #tpu.memory_space<vmem>> -> memref<1x512x48xf32, #tpu.memory_space<vmem>>
        %dma_wait3A_283 = tpu.memref_squeeze %dma_wait3A_282 : memref<1x512x48xf32, #tpu.memory_space<vmem>> -> memref<512x48xf32, #tpu.memory_space<vmem>>
        %dma_wait3A_284 = arith.constant 0 : i32
        %dma_wait3A_285 = tpu.memref_slice %arg4[%mul3A_2, %dma_wait3A_284] : memref<655360x48xf32, #tpu.memory_space<hbm>> -> memref<512x48xf32, #tpu.memory_space<hbm>>
        %dma_wait3A_286 = arith.constant 0 : i32
        %dma_wait3A_287 = tpu.memref_slice %arg4[%mul3A_2, %dma_wait3A_286] : memref<655360x48xf32, #tpu.memory_space<hbm>> -> memref<512x48xf32, #tpu.memory_space<hbm>>
        %dma_wait3A_288 = arith.constant 0 : i32
        %dma_wait3A_289 = arith.constant 0 : i32
        %dma_wait3A_290 = tpu.memref_slice %arg6[%dma_wait3A_279, %dma_wait3A_288, %dma_wait3A_289] : memref<2x512x48xf32, #tpu.memory_space<vmem>> -> memref<1x512x48xf32, #tpu.memory_space<vmem>>
        %dma_wait3A_291 = tpu.memref_squeeze %dma_wait3A_290 : memref<1x512x48xf32, #tpu.memory_space<vmem>> -> memref<512x48xf32, #tpu.memory_space<vmem>>
        tpu.wait_dma2 semaphore(%arg10 : memref<!tpu.dma_semaphore, #tpu.memory_space<semaphore_mem>>) src(%dma_wait3A_291 : memref<512x48xf32, #tpu.memory_space<vmem>>) dst(%dma_wait3A_287 : memref<512x48xf32, #tpu.memory_space<hbm>>)
      } else {
      }
      %run_scoped3A_169 = arith.constant 1 : i32
      "tpu.region"() ({
        %run_scoped3A_279 = tpu.sem_alloc : memref<!tpu.dma_semaphore, #tpu.memory_space<semaphore_mem>>
        %dma_start3A_280 = arith.constant 0 : i32
        %dma_start3A_281 = tpu.memref_slice %arg5[%run_scoped3A_169, %dma_start3A_280] : memref<2x512xi32, #tpu.memory_space<vmem>> -> memref<1x512xi32, #tpu.memory_space<vmem>>
        %dma_start3A_282 = tpu.memref_squeeze %dma_start3A_281 : memref<1x512xi32, #tpu.memory_space<vmem>> -> memref<512xi32, #tpu.memory_space<vmem>>
        %dma_start3A_283 = tpu.memref_slice %arg3[%add3A_163] : memref<655360xi32, #tpu.memory_space<hbm>> -> memref<512xi32, #tpu.memory_space<hbm>>
        %dma_start3A_284 = arith.constant 0 : i32
        %dma_start3A_285 = tpu.memref_slice %arg5[%run_scoped3A_169, %dma_start3A_284] : memref<2x512xi32, #tpu.memory_space<vmem>> -> memref<1x512xi32, #tpu.memory_space<vmem>>
        %dma_start3A_286 = tpu.memref_squeeze %dma_start3A_285 : memref<1x512xi32, #tpu.memory_space<vmem>> -> memref<512xi32, #tpu.memory_space<vmem>>
        %dma_start3A_287 = tpu.memref_slice %arg3[%add3A_163] : memref<655360xi32, #tpu.memory_space<hbm>> -> memref<512xi32, #tpu.memory_space<hbm>>
        tpu.enqueue_dma source(%dma_start3A_287 : memref<512xi32, #tpu.memory_space<hbm>>) target(%dma_start3A_286 : memref<512xi32, #tpu.memory_space<vmem>>) target_semaphore(%run_scoped3A_279 : memref<!tpu.dma_semaphore, #tpu.memory_space<semaphore_mem>>)
        %dma_wait3A_288 = arith.constant 0 : i32
        %dma_wait3A_289 = tpu.memref_slice %arg5[%run_scoped3A_169, %dma_wait3A_288] : memref<2x512xi32, #tpu.memory_space<vmem>> -> memref<1x512xi32, #tpu.memory_space<vmem>>
        %dma_wait3A_290 = tpu.memref_squeeze %dma_wait3A_289 : memref<1x512xi32, #tpu.memory_space<vmem>> -> memref<512xi32, #tpu.memory_space<vmem>>
        %dma_wait3A_291 = tpu.memref_slice %arg3[%add3A_163] : memref<655360xi32, #tpu.memory_space<hbm>> -> memref<512xi32, #tpu.memory_space<hbm>>
        %dma_wait3A_292 = arith.constant 0 : i32
        %dma_wait3A_293 = tpu.memref_slice %arg5[%run_scoped3A_169, %dma_wait3A_292] : memref<2x512xi32, #tpu.memory_space<vmem>> -> memref<1x512xi32, #tpu.memory_space<vmem>>
        %dma_wait3A_294 = tpu.memref_squeeze %dma_wait3A_293 : memref<1x512xi32, #tpu.memory_space<vmem>> -> memref<512xi32, #tpu.memory_space<vmem>>
        %dma_wait3A_295 = tpu.memref_slice %arg3[%add3A_163] : memref<655360xi32, #tpu.memory_space<hbm>> -> memref<512xi32, #tpu.memory_space<hbm>>
        tpu.wait_dma2 semaphore(%run_scoped3A_279 : memref<!tpu.dma_semaphore, #tpu.memory_space<semaphore_mem>>) src(%dma_wait3A_295 : memref<512xi32, #tpu.memory_space<hbm>>) dst(%dma_wait3A_294 : memref<512xi32, #tpu.memory_space<vmem>>)
        tpu.yield
      }) : () -> ()
      %dma_start3A_170 = arith.constant 1 : i32
      %dma_start3A_171 = arith.constant 1 : i32
      %dma_start3A_172 = arith.constant 0 : i32
      %dma_start3A_173 = arith.constant 0 : i32
      %dma_start3A_174 = tpu.memref_slice %arg6[%dma_start3A_171, %dma_start3A_172, %dma_start3A_173] : memref<2x512x48xf32, #tpu.memory_space<vmem>> -> memref<1x128x48xf32, #tpu.memory_space<vmem>>
      %dma_start3A_175 = tpu.memref_squeeze %dma_start3A_174 : memref<1x128x48xf32, #tpu.memory_space<vmem>> -> memref<128x48xf32, #tpu.memory_space<vmem>>
      %dma_start3A_176 = arith.constant 0 : i32
      %dma_start3A_177 = tpu.memref_slice %arg5[%dma_start3A_170, %dma_start3A_176] : memref<2x512xi32, #tpu.memory_space<vmem>> -> memref<1x128xi32, #tpu.memory_space<vmem>>
      %dma_start3A_178 = tpu.memref_squeeze %dma_start3A_177 : memref<1x128xi32, #tpu.memory_space<vmem>> -> memref<128xi32, #tpu.memory_space<vmem>>
      %dma_start3A_179 = arith.constant 0 : i32
      %dma_start3A_180 = arith.constant 0 : i32
      %dma_start3A_181 = tpu.memref_slice %arg7[%dma_start3A_179, %dma_start3A_180] : memref<20480x48xf32, #tpu.memory_space<vmem_shared>> -> memref<20480x48xf32, #tpu.memory_space<vmem_shared>>
      tpu.enqueue_indirect_dma source(%dma_start3A_181 : memref<20480x48xf32, #tpu.memory_space<vmem_shared>>) target(%dma_start3A_175 : memref<128x48xf32, #tpu.memory_space<vmem>>) offsets(%dma_start3A_178 : memref<128xi32, #tpu.memory_space<vmem>>) semaphore(%arg8 : memref<!tpu.dma_semaphore, #tpu.memory_space<semaphore_mem>>)
      %dma_start3A_182 = arith.constant 1 : i32
      %dma_start3A_183 = arith.constant 1 : i32
      %dma_start3A_184 = arith.constant 128 : i32
      %dma_start3A_185 = arith.constant 0 : i32
      %dma_start3A_186 = tpu.memref_slice %arg6[%dma_start3A_183, %dma_start3A_184, %dma_start3A_185] : memref<2x512x48xf32, #tpu.memory_space<vmem>> -> memref<1x128x48xf32, #tpu.memory_space<vmem>>
      %dma_start3A_187 = tpu.memref_squeeze %dma_start3A_186 : memref<1x128x48xf32, #tpu.memory_space<vmem>> -> memref<128x48xf32, #tpu.memory_space<vmem>>
      %dma_start3A_188 = arith.constant 128 : i32
      %dma_start3A_189 = tpu.memref_slice %arg5[%dma_start3A_182, %dma_start3A_188] : memref<2x512xi32, #tpu.memory_space<vmem>> -> memref<1x128xi32, #tpu.memory_space<vmem>>
      %dma_start3A_190 = tpu.memref_squeeze %dma_start3A_189 : memref<1x128xi32, #tpu.memory_space<vmem>> -> memref<128xi32, #tpu.memory_space<vmem>>
      %dma_start3A_191 = arith.constant 0 : i32
      %dma_start3A_192 = arith.constant 0 : i32
      %dma_start3A_193 = tpu.memref_slice %arg7[%dma_start3A_191, %dma_start3A_192] : memref<20480x48xf32, #tpu.memory_space<vmem_shared>> -> memref<20480x48xf32, #tpu.memory_space<vmem_shared>>
      tpu.enqueue_indirect_dma source(%dma_start3A_193 : memref<20480x48xf32, #tpu.memory_space<vmem_shared>>) target(%dma_start3A_187 : memref<128x48xf32, #tpu.memory_space<vmem>>) offsets(%dma_start3A_190 : memref<128xi32, #tpu.memory_space<vmem>>) semaphore(%arg8 : memref<!tpu.dma_semaphore, #tpu.memory_space<semaphore_mem>>)
      %dma_start3A_194 = arith.constant 1 : i32
      %dma_start3A_195 = arith.constant 1 : i32
      %dma_start3A_196 = arith.constant 256 : i32
      %dma_start3A_197 = arith.constant 0 : i32
      %dma_start3A_198 = tpu.memref_slice %arg6[%dma_start3A_195, %dma_start3A_196, %dma_start3A_197] : memref<2x512x48xf32, #tpu.memory_space<vmem>> -> memref<1x128x48xf32, #tpu.memory_space<vmem>>
      %dma_start3A_199 = tpu.memref_squeeze %dma_start3A_198 : memref<1x128x48xf32, #tpu.memory_space<vmem>> -> memref<128x48xf32, #tpu.memory_space<vmem>>
      %dma_start3A_200 = arith.constant 256 : i32
      %dma_start3A_201 = tpu.memref_slice %arg5[%dma_start3A_194, %dma_start3A_200] : memref<2x512xi32, #tpu.memory_space<vmem>> -> memref<1x128xi32, #tpu.memory_space<vmem>>
      %dma_start3A_202 = tpu.memref_squeeze %dma_start3A_201 : memref<1x128xi32, #tpu.memory_space<vmem>> -> memref<128xi32, #tpu.memory_space<vmem>>
      %dma_start3A_203 = arith.constant 0 : i32
      %dma_start3A_204 = arith.constant 0 : i32
      %dma_start3A_205 = tpu.memref_slice %arg7[%dma_start3A_203, %dma_start3A_204] : memref<20480x48xf32, #tpu.memory_space<vmem_shared>> -> memref<20480x48xf32, #tpu.memory_space<vmem_shared>>
      tpu.enqueue_indirect_dma source(%dma_start3A_205 : memref<20480x48xf32, #tpu.memory_space<vmem_shared>>) target(%dma_start3A_199 : memref<128x48xf32, #tpu.memory_space<vmem>>) offsets(%dma_start3A_202 : memref<128xi32, #tpu.memory_space<vmem>>) semaphore(%arg8 : memref<!tpu.dma_semaphore, #tpu.memory_space<semaphore_mem>>)
      %dma_start3A_206 = arith.constant 1 : i32
      %dma_start3A_207 = arith.constant 1 : i32
      %dma_start3A_208 = arith.constant 384 : i32
      %dma_start3A_209 = arith.constant 0 : i32
      %dma_start3A_210 = tpu.memref_slice %arg6[%dma_start3A_207, %dma_start3A_208, %dma_start3A_209] : memref<2x512x48xf32, #tpu.memory_space<vmem>> -> memref<1x128x48xf32, #tpu.memory_space<vmem>>
      %dma_start3A_211 = tpu.memref_squeeze %dma_start3A_210 : memref<1x128x48xf32, #tpu.memory_space<vmem>> -> memref<128x48xf32, #tpu.memory_space<vmem>>
      %dma_start3A_212 = arith.constant 384 : i32
      %dma_start3A_213 = tpu.memref_slice %arg5[%dma_start3A_206, %dma_start3A_212] : memref<2x512xi32, #tpu.memory_space<vmem>> -> memref<1x128xi32, #tpu.memory_space<vmem>>
      %dma_start3A_214 = tpu.memref_squeeze %dma_start3A_213 : memref<1x128xi32, #tpu.memory_space<vmem>> -> memref<128xi32, #tpu.memory_space<vmem>>
      %dma_start3A_215 = arith.constant 0 : i32
      %dma_start3A_216 = arith.constant 0 : i32
      %dma_start3A_217 = tpu.memref_slice %arg7[%dma_start3A_215, %dma_start3A_216] : memref<20480x48xf32, #tpu.memory_space<vmem_shared>> -> memref<20480x48xf32, #tpu.memory_space<vmem_shared>>
      tpu.enqueue_indirect_dma source(%dma_start3A_217 : memref<20480x48xf32, #tpu.memory_space<vmem_shared>>) target(%dma_start3A_211 : memref<128x48xf32, #tpu.memory_space<vmem>>) offsets(%dma_start3A_214 : memref<128xi32, #tpu.memory_space<vmem>>) semaphore(%arg8 : memref<!tpu.dma_semaphore, #tpu.memory_space<semaphore_mem>>)
      %dma_wait3A_218 = arith.constant 1 : i32
      %dma_wait3A_219 = arith.constant 1 : i32
      %dma_wait3A_220 = arith.constant 0 : i32
      %dma_wait3A_221 = arith.constant 0 : i32
      %dma_wait3A_222 = tpu.memref_slice %arg6[%dma_wait3A_219, %dma_wait3A_220, %dma_wait3A_221] : memref<2x512x48xf32, #tpu.memory_space<vmem>> -> memref<1x128x48xf32, #tpu.memory_space<vmem>>
      %dma_wait3A_223 = tpu.memref_squeeze %dma_wait3A_222 : memref<1x128x48xf32, #tpu.memory_space<vmem>> -> memref<128x48xf32, #tpu.memory_space<vmem>>
      %dma_wait3A_224 = arith.constant 0 : i32
      %dma_wait3A_225 = tpu.memref_slice %arg5[%dma_wait3A_218, %dma_wait3A_224] : memref<2x512xi32, #tpu.memory_space<vmem>> -> memref<1x128xi32, #tpu.memory_space<vmem>>
      %dma_wait3A_226 = tpu.memref_squeeze %dma_wait3A_225 : memref<1x128xi32, #tpu.memory_space<vmem>> -> memref<128xi32, #tpu.memory_space<vmem>>
      %dma_wait3A_227 = arith.constant 0 : i32
      %dma_wait3A_228 = arith.constant 0 : i32
      %dma_wait3A_229 = tpu.memref_slice %arg7[%dma_wait3A_227, %dma_wait3A_228] : memref<20480x48xf32, #tpu.memory_space<vmem_shared>> -> memref<20480x48xf32, #tpu.memory_space<vmem_shared>>
      tpu.wait_indirect_dma semaphore(%arg8 : memref<!tpu.dma_semaphore, #tpu.memory_space<semaphore_mem>>) src(%dma_wait3A_229 : memref<20480x48xf32, #tpu.memory_space<vmem_shared>>) dst(%dma_wait3A_223 : memref<128x48xf32, #tpu.memory_space<vmem>>)
      %dma_wait3A_230 = arith.constant 1 : i32
      %dma_wait3A_231 = arith.constant 1 : i32
      %dma_wait3A_232 = arith.constant 128 : i32
      %dma_wait3A_233 = arith.constant 0 : i32
      %dma_wait3A_234 = tpu.memref_slice %arg6[%dma_wait3A_231, %dma_wait3A_232, %dma_wait3A_233] : memref<2x512x48xf32, #tpu.memory_space<vmem>> -> memref<1x128x48xf32, #tpu.memory_space<vmem>>
      %dma_wait3A_235 = tpu.memref_squeeze %dma_wait3A_234 : memref<1x128x48xf32, #tpu.memory_space<vmem>> -> memref<128x48xf32, #tpu.memory_space<vmem>>
      %dma_wait3A_236 = arith.constant 128 : i32
      %dma_wait3A_237 = tpu.memref_slice %arg5[%dma_wait3A_230, %dma_wait3A_236] : memref<2x512xi32, #tpu.memory_space<vmem>> -> memref<1x128xi32, #tpu.memory_space<vmem>>
      %dma_wait3A_238 = tpu.memref_squeeze %dma_wait3A_237 : memref<1x128xi32, #tpu.memory_space<vmem>> -> memref<128xi32, #tpu.memory_space<vmem>>
      %dma_wait3A_239 = arith.constant 0 : i32
      %dma_wait3A_240 = arith.constant 0 : i32
      %dma_wait3A_241 = tpu.memref_slice %arg7[%dma_wait3A_239, %dma_wait3A_240] : memref<20480x48xf32, #tpu.memory_space<vmem_shared>> -> memref<20480x48xf32, #tpu.memory_space<vmem_shared>>
      tpu.wait_indirect_dma semaphore(%arg8 : memref<!tpu.dma_semaphore, #tpu.memory_space<semaphore_mem>>) src(%dma_wait3A_241 : memref<20480x48xf32, #tpu.memory_space<vmem_shared>>) dst(%dma_wait3A_235 : memref<128x48xf32, #tpu.memory_space<vmem>>)
      %dma_wait3A_242 = arith.constant 1 : i32
      %dma_wait3A_243 = arith.constant 1 : i32
      %dma_wait3A_244 = arith.constant 256 : i32
      %dma_wait3A_245 = arith.constant 0 : i32
      %dma_wait3A_246 = tpu.memref_slice %arg6[%dma_wait3A_243, %dma_wait3A_244, %dma_wait3A_245] : memref<2x512x48xf32, #tpu.memory_space<vmem>> -> memref<1x128x48xf32, #tpu.memory_space<vmem>>
      %dma_wait3A_247 = tpu.memref_squeeze %dma_wait3A_246 : memref<1x128x48xf32, #tpu.memory_space<vmem>> -> memref<128x48xf32, #tpu.memory_space<vmem>>
      %dma_wait3A_248 = arith.constant 256 : i32
      %dma_wait3A_249 = tpu.memref_slice %arg5[%dma_wait3A_242, %dma_wait3A_248] : memref<2x512xi32, #tpu.memory_space<vmem>> -> memref<1x128xi32, #tpu.memory_space<vmem>>
      %dma_wait3A_250 = tpu.memref_squeeze %dma_wait3A_249 : memref<1x128xi32, #tpu.memory_space<vmem>> -> memref<128xi32, #tpu.memory_space<vmem>>
      %dma_wait3A_251 = arith.constant 0 : i32
      %dma_wait3A_252 = arith.constant 0 : i32
      %dma_wait3A_253 = tpu.memref_slice %arg7[%dma_wait3A_251, %dma_wait3A_252] : memref<20480x48xf32, #tpu.memory_space<vmem_shared>> -> memref<20480x48xf32, #tpu.memory_space<vmem_shared>>
      tpu.wait_indirect_dma semaphore(%arg8 : memref<!tpu.dma_semaphore, #tpu.memory_space<semaphore_mem>>) src(%dma_wait3A_253 : memref<20480x48xf32, #tpu.memory_space<vmem_shared>>) dst(%dma_wait3A_247 : memref<128x48xf32, #tpu.memory_space<vmem>>)
      %dma_wait3A_254 = arith.constant 1 : i32
      %dma_wait3A_255 = arith.constant 1 : i32
      %dma_wait3A_256 = arith.constant 384 : i32
      %dma_wait3A_257 = arith.constant 0 : i32
      %dma_wait3A_258 = tpu.memref_slice %arg6[%dma_wait3A_255, %dma_wait3A_256, %dma_wait3A_257] : memref<2x512x48xf32, #tpu.memory_space<vmem>> -> memref<1x128x48xf32, #tpu.memory_space<vmem>>
      %dma_wait3A_259 = tpu.memref_squeeze %dma_wait3A_258 : memref<1x128x48xf32, #tpu.memory_space<vmem>> -> memref<128x48xf32, #tpu.memory_space<vmem>>
      %dma_wait3A_260 = arith.constant 384 : i32
      %dma_wait3A_261 = tpu.memref_slice %arg5[%dma_wait3A_254, %dma_wait3A_260] : memref<2x512xi32, #tpu.memory_space<vmem>> -> memref<1x128xi32, #tpu.memory_space<vmem>>
      %dma_wait3A_262 = tpu.memref_squeeze %dma_wait3A_261 : memref<1x128xi32, #tpu.memory_space<vmem>> -> memref<128xi32, #tpu.memory_space<vmem>>
      %dma_wait3A_263 = arith.constant 0 : i32
      %dma_wait3A_264 = arith.constant 0 : i32
      %dma_wait3A_265 = tpu.memref_slice %arg7[%dma_wait3A_263, %dma_wait3A_264] : memref<20480x48xf32, #tpu.memory_space<vmem_shared>> -> memref<20480x48xf32, #tpu.memory_space<vmem_shared>>
      tpu.wait_indirect_dma semaphore(%arg8 : memref<!tpu.dma_semaphore, #tpu.memory_space<semaphore_mem>>) src(%dma_wait3A_265 : memref<20480x48xf32, #tpu.memory_space<vmem_shared>>) dst(%dma_wait3A_259 : memref<128x48xf32, #tpu.memory_space<vmem>>)
      %dma_start3A_266 = arith.constant 1 : i32
      %dma_start3A_267 = arith.constant 0 : i32
      %dma_start3A_268 = arith.constant 0 : i32
      %dma_start3A_269 = tpu.memref_slice %arg6[%dma_start3A_266, %dma_start3A_267, %dma_start3A_268] : memref<2x512x48xf32, #tpu.memory_space<vmem>> -> memref<1x512x48xf32, #tpu.memory_space<vmem>>
      %dma_start3A_270 = tpu.memref_squeeze %dma_start3A_269 : memref<1x512x48xf32, #tpu.memory_space<vmem>> -> memref<512x48xf32, #tpu.memory_space<vmem>>
      %dma_start3A_271 = arith.constant 0 : i32
      %dma_start3A_272 = tpu.memref_slice %arg4[%add3A_163, %dma_start3A_271] : memref<655360x48xf32, #tpu.memory_space<hbm>> -> memref<512x48xf32, #tpu.memory_space<hbm>>
      %dma_start3A_273 = arith.constant 0 : i32
      %dma_start3A_274 = tpu.memref_slice %arg4[%add3A_163, %dma_start3A_273] : memref<655360x48xf32, #tpu.memory_space<hbm>> -> memref<512x48xf32, #tpu.memory_space<hbm>>
      %dma_start3A_275 = arith.constant 0 : i32
      %dma_start3A_276 = arith.constant 0 : i32
      %dma_start3A_277 = tpu.memref_slice %arg6[%dma_start3A_266, %dma_start3A_275, %dma_start3A_276] : memref<2x512x48xf32, #tpu.memory_space<vmem>> -> memref<1x512x48xf32, #tpu.memory_space<vmem>>
      %dma_start3A_278 = tpu.memref_squeeze %dma_start3A_277 : memref<1x512x48xf32, #tpu.memory_space<vmem>> -> memref<512x48xf32, #tpu.memory_space<vmem>>
      tpu.enqueue_dma source(%dma_start3A_278 : memref<512x48xf32, #tpu.memory_space<vmem>>) target(%dma_start3A_274 : memref<512x48xf32, #tpu.memory_space<hbm>>) target_semaphore(%arg10 : memref<!tpu.dma_semaphore, #tpu.memory_space<semaphore_mem>>)
    }
    %scan3A_13 = arith.constant 20 : i32
    %dma_wait3A = arith.constant 0 : i32
    %dma_wait3A_14 = arith.constant 0 : i32
    %dma_wait3A_15 = arith.constant 0 : i32
    %dma_wait3A_16 = tpu.memref_slice %arg6[%dma_wait3A, %dma_wait3A_14, %dma_wait3A_15] : memref<2x512x48xf32, #tpu.memory_space<vmem>> -> memref<1x512x48xf32, #tpu.memory_space<vmem>>
    %dma_wait3A_17 = tpu.memref_squeeze %dma_wait3A_16 : memref<1x512x48xf32, #tpu.memory_space<vmem>> -> memref<512x48xf32, #tpu.memory_space<vmem>>
    %dma_wait3A_18 = arith.constant 0 : i32
    %dma_wait3A_19 = tpu.memref_slice %arg4[%mul3A_2, %dma_wait3A_18] : memref<655360x48xf32, #tpu.memory_space<hbm>> -> memref<512x48xf32, #tpu.memory_space<hbm>>
    %dma_wait3A_20 = arith.constant 0 : i32
    %dma_wait3A_21 = tpu.memref_slice %arg4[%mul3A_2, %dma_wait3A_20] : memref<655360x48xf32, #tpu.memory_space<hbm>> -> memref<512x48xf32, #tpu.memory_space<hbm>>
    %dma_wait3A_22 = arith.constant 0 : i32
    %dma_wait3A_23 = arith.constant 0 : i32
    %dma_wait3A_24 = tpu.memref_slice %arg6[%dma_wait3A, %dma_wait3A_22, %dma_wait3A_23] : memref<2x512x48xf32, #tpu.memory_space<vmem>> -> memref<1x512x48xf32, #tpu.memory_space<vmem>>
    %dma_wait3A_25 = tpu.memref_squeeze %dma_wait3A_24 : memref<1x512x48xf32, #tpu.memory_space<vmem>> -> memref<512x48xf32, #tpu.memory_space<vmem>>
    tpu.wait_dma2 semaphore(%arg9 : memref<!tpu.dma_semaphore, #tpu.memory_space<semaphore_mem>>) src(%dma_wait3A_25 : memref<512x48xf32, #tpu.memory_space<vmem>>) dst(%dma_wait3A_21 : memref<512x48xf32, #tpu.memory_space<hbm>>)
    %dma_wait3A_26 = arith.constant 1 : i32
    %dma_wait3A_27 = arith.constant 0 : i32
    %dma_wait3A_28 = arith.constant 0 : i32
    %dma_wait3A_29 = tpu.memref_slice %arg6[%dma_wait3A_26, %dma_wait3A_27, %dma_wait3A_28] : memref<2x512x48xf32, #tpu.memory_space<vmem>> -> memref<1x512x48xf32, #tpu.memory_space<vmem>>
    %dma_wait3A_30 = tpu.memref_squeeze %dma_wait3A_29 : memref<1x512x48xf32, #tpu.memory_space<vmem>> -> memref<512x48xf32, #tpu.memory_space<vmem>>
    %dma_wait3A_31 = arith.constant 0 : i32
    %dma_wait3A_32 = tpu.memref_slice %arg4[%mul3A_2, %dma_wait3A_31] : memref<655360x48xf32, #tpu.memory_space<hbm>> -> memref<512x48xf32, #tpu.memory_space<hbm>>
    %dma_wait3A_33 = arith.constant 0 : i32
    %dma_wait3A_34 = tpu.memref_slice %arg4[%mul3A_2, %dma_wait3A_33] : memref<655360x48xf32, #tpu.memory_space<hbm>> -> memref<512x48xf32, #tpu.memory_space<hbm>>
    %dma_wait3A_35 = arith.constant 0 : i32
    %dma_wait3A_36 = arith.constant 0 : i32
    %dma_wait3A_37 = tpu.memref_slice %arg6[%dma_wait3A_26, %dma_wait3A_35, %dma_wait3A_36] : memref<2x512x48xf32, #tpu.memory_space<vmem>> -> memref<1x512x48xf32, #tpu.memory_space<vmem>>
    %dma_wait3A_38 = tpu.memref_squeeze %dma_wait3A_37 : memref<1x512x48xf32, #tpu.memory_space<vmem>> -> memref<512x48xf32, #tpu.memory_space<vmem>>
    tpu.wait_dma2 semaphore(%arg10 : memref<!tpu.dma_semaphore, #tpu.memory_space<semaphore_mem>>) src(%dma_wait3A_38 : memref<512x48xf32, #tpu.memory_space<vmem>>) dst(%dma_wait3A_34 : memref<512x48xf32, #tpu.memory_space<hbm>>)
    return
  }
}

module attributes {stable_mosaic.version = 14 : i64} {
  func.func @_tc_body(%arg0: i32, %arg1: memref<32x128x48xf32, #tpu.memory_space<vmem>>, %arg2: memref<128x16xf32, #tpu.memory_space<vmem>>, %arg3: memref<16x16xf32, #tpu.memory_space<vmem>>, %arg4: memref<16x16xf32, #tpu.memory_space<vmem>>, %arg5: memref<16x1024xf32, #tpu.memory_space<vmem>>, %arg6: memref<1024x64xf32, #tpu.memory_space<vmem>>, %arg7: memref<128x64xf32, #tpu.memory_space<vmem>>, %arg8: memref<128x1024xf32, #tpu.memory_space<vmem>>) attributes {dimension_semantics = [#tpu.dimension_semantics<arbitrary>], iteration_bounds = array<i64: 160>, scalar_prefetch = 0 : i64, scratch_operands = 1 : i64, tpu.core_type = #tpu.core_type<tc>, window_params = [{transform_indices = @transform_0, window_bounds = array<i64: 32, 128, 48>}, {transform_indices = @transform_1, window_bounds = array<i64: 128, 16>}, {pipeline_mode = #tpu.pipeline_mode<synchronous>, transform_indices = @transform_2, window_bounds = array<i64: 16, 16>}, {pipeline_mode = #tpu.pipeline_mode<synchronous>, transform_indices = @transform_3, window_bounds = array<i64: 16, 16>}, {pipeline_mode = #tpu.pipeline_mode<synchronous>, transform_indices = @transform_4, window_bounds = array<i64: 16, 1024>}, {pipeline_mode = #tpu.pipeline_mode<synchronous>, transform_indices = @transform_5, window_bounds = array<i64: 1024, 64>}, {transform_indices = @transform_6, window_bounds = array<i64: 128, 64>}]} {
    %get3A = arith.constant 0 : index
    %get3A_0 = arith.constant 0 : index
    %get3A_1 = arith.constant 0 : index
    %get3A_2 = vector.load %arg1[%get3A, %get3A_0, %get3A_1] : memref<32x128x48xf32, #tpu.memory_space<vmem>>, vector<32x128x48xf32>
    %slice3A = vector.extract_strided_slice %get3A_2 {offsets = [0, 0, 0], sizes = [32, 128, 32], strides = [1, 1, 1]} : vector<32x128x48xf32> to vector<32x128x32xf32>
    %bitcast_convert_type3A = tpu.bitcast %slice3A : vector<32x128x32xf32> -> vector<32x128x32xi32>
    %shift_left3A = arith.constant 16 : i32
    %shift_left3A_3 = vector.broadcast %shift_left3A : i32 to vector<32x128x32xi32>
    %shift_left3A_4 = arith.shli %bitcast_convert_type3A, %shift_left3A_3 : vector<32x128x32xi32>
    %bitcast_convert_type3A_5 = tpu.bitcast %shift_left3A_4 : vector<32x128x32xi32> -> vector<32x128x32xf32>
    %and3A = arith.constant -65536 : i32
    %and3A_6 = vector.broadcast %and3A : i32 to vector<32x128x32xi32>
    %and3A_7 = arith.andi %bitcast_convert_type3A, %and3A_6 : vector<32x128x32xi32>
    %bitcast_convert_type3A_8 = tpu.bitcast %and3A_7 : vector<32x128x32xi32> -> vector<32x128x32xf32>
    %concatenate3A = tpu.concatenate %bitcast_convert_type3A_5, %bitcast_convert_type3A_8, %bitcast_convert_type3A_5, %bitcast_convert_type3A_8 in 2 : vector<32x128x32xf32>, vector<32x128x32xf32>, vector<32x128x32xf32>, vector<32x128x32xf32> -> vector<32x128x128xf32>
    %get3A_9 = arith.constant 0 : index
    %get3A_10 = arith.constant 0 : index
    %get3A_11 = vector.load %arg2[%get3A_9, %get3A_10] : memref<128x16xf32, #tpu.memory_space<vmem>>, vector<128x16xf32>
    %broadcast_in_dim3A = vector.shape_cast %get3A_11 : vector<128x16xf32> to vector<1x128x16xf32>
    %slice3A_12 = vector.extract_strided_slice %get3A_2 {offsets = [0, 0, 32], sizes = [32, 128, 16], strides = [1, 1, 1]} : vector<32x128x48xf32> to vector<32x128x16xf32>
    %sub3A = vector.broadcast %broadcast_in_dim3A : vector<1x128x16xf32> to vector<32x128x16xf32>
    %sub3A_13 = arith.subf %slice3A_12, %sub3A : vector<32x128x16xf32>
    %reshape3A = vector.shape_cast %sub3A_13 : vector<32x128x16xf32> to vector<4096x16xf32>
    %get3A_14 = arith.constant 0 : index
    %get3A_15 = arith.constant 0 : index
    %get3A_16 = vector.load %arg3[%get3A_14, %get3A_15] : memref<16x16xf32, #tpu.memory_space<vmem>>, vector<16x16xf32>
    %dot_general3A = arith.constant dense<0.000000e+00> : vector<4096x16xf32>
    %dot_general3A_17 = tpu.matmul %reshape3A, %get3A_16, %dot_general3A {dimension_numbers = #tpu.dot_dimension_numbers<[1], [0], [0], [1], [0, 0, 1, 1], [], []>, transpose_lhs_hint = false} : vector<4096x16xf32>, vector<16x16xf32>, vector<4096x16xf32> -> vector<4096x16xf32>
    %mul3A = arith.mulf %reshape3A, %reshape3A : vector<4096x16xf32>
    %get3A_18 = arith.constant 0 : index
    %get3A_19 = arith.constant 0 : index
    %get3A_20 = vector.load %arg4[%get3A_18, %get3A_19] : memref<16x16xf32, #tpu.memory_space<vmem>>, vector<16x16xf32>
    %dot_general3A_21 = arith.constant dense<0.000000e+00> : vector<4096x16xf32>
    %dot_general3A_22 = tpu.matmul %mul3A, %get3A_20, %dot_general3A_21 {dimension_numbers = #tpu.dot_dimension_numbers<[1], [0], [0], [1], [0, 0, 1, 1], [], []>, transpose_lhs_hint = false} : vector<4096x16xf32>, vector<16x16xf32>, vector<4096x16xf32> -> vector<4096x16xf32>
    %add3A = arith.addf %dot_general3A_17, %dot_general3A_22 : vector<4096x16xf32>
    %rsqrt3A = math.rsqrt %add3A : vector<4096x16xf32>
    %mul3A_23 = arith.mulf %add3A, %rsqrt3A : vector<4096x16xf32>
    %mul3A_24 = arith.constant 1.000000e+01 : f32
    %mul3A_25 = vector.broadcast %mul3A_24 : f32 to vector<4096x16xf32>
    %mul3A_26 = arith.mulf %mul3A_23, %mul3A_25 : vector<4096x16xf32>
    %sub3A_27 = arith.constant 1.000000e+00 : f32
    %sub3A_28 = vector.broadcast %sub3A_27 : f32 to vector<4096x16xf32>
    %sub3A_29 = arith.subf %sub3A_28, %mul3A_26 : vector<4096x16xf32>
    %max3A = arith.constant 0.000000e+00 : f32
    %max3A_30 = vector.broadcast %max3A : f32 to vector<4096x16xf32>
    %max3A_31 = arith.maximumf %sub3A_29, %max3A_30 : vector<4096x16xf32>
    %get3A_32 = arith.constant 0 : index
    %get3A_33 = arith.constant 0 : index
    %get3A_34 = vector.load %arg5[%get3A_32, %get3A_33] : memref<16x1024xf32, #tpu.memory_space<vmem>>, vector<16x128xf32>
    %dot_general3A_35 = arith.constant dense<0.000000e+00> : vector<4096x128xf32>
    %dot_general3A_36 = tpu.matmul %max3A_31, %get3A_34, %dot_general3A_35 {dimension_numbers = #tpu.dot_dimension_numbers<[1], [0], [0], [1], [0, 0, 1, 1], [], []>, transpose_lhs_hint = false} : vector<4096x16xf32>, vector<16x128xf32>, vector<4096x128xf32> -> vector<4096x128xf32>
    %reshape3A_37 = vector.shape_cast %dot_general3A_36 : vector<4096x128xf32> to vector<1x32x128x128xf32>
    %squeeze3A = vector.shape_cast %reshape3A_37 : vector<1x32x128x128xf32> to vector<32x128x128xf32>
    %mul3A_38 = arith.mulf %squeeze3A, %concatenate3A : vector<32x128x128xf32>
    %reduce_sum3A = arith.constant dense<0.000000e+00> : vector<128x128xf32>
    %reduce_sum3A_39 = vector.multi_reduction <add>, %mul3A_38, %reduce_sum3A [0] : vector<32x128x128xf32> to vector<128x128xf32>
    %swap3A = arith.constant 0 : index
    %swap3A_40 = arith.constant 0 : index
    %swap3A_41 = vector.load %arg8[%swap3A, %swap3A_40] : memref<128x1024xf32, #tpu.memory_space<vmem>>, vector<128x128xf32>
    tpu.vector_store %arg8[%swap3A, %swap3A_40], %reduce_sum3A_39 {strides = array<i32>} : memref<128x1024xf32, #tpu.memory_space<vmem>>, vector<128x128xf32>,
    %get3A_42 = arith.constant 0 : index
    %get3A_43 = arith.constant 128 : index
    %get3A_44 = vector.load %arg5[%get3A_42, %get3A_43] : memref<16x1024xf32, #tpu.memory_space<vmem>>, vector<16x128xf32>
    %dot_general3A_45 = arith.constant dense<0.000000e+00> : vector<4096x128xf32>
    %dot_general3A_46 = tpu.matmul %max3A_31, %get3A_44, %dot_general3A_45 {dimension_numbers = #tpu.dot_dimension_numbers<[1], [0], [0], [1], [0, 0, 1, 1], [], []>, transpose_lhs_hint = false} : vector<4096x16xf32>, vector<16x128xf32>, vector<4096x128xf32> -> vector<4096x128xf32>
    %reshape3A_47 = vector.shape_cast %dot_general3A_46 : vector<4096x128xf32> to vector<1x32x128x128xf32>
    %squeeze3A_48 = vector.shape_cast %reshape3A_47 : vector<1x32x128x128xf32> to vector<32x128x128xf32>
    %mul3A_49 = arith.mulf %squeeze3A_48, %concatenate3A : vector<32x128x128xf32>
    %reduce_sum3A_50 = arith.constant dense<0.000000e+00> : vector<128x128xf32>
    %reduce_sum3A_51 = vector.multi_reduction <add>, %mul3A_49, %reduce_sum3A_50 [0] : vector<32x128x128xf32> to vector<128x128xf32>
    %swap3A_52 = arith.constant 0 : index
    %swap3A_53 = arith.constant 128 : index
    %swap3A_54 = vector.load %arg8[%swap3A_52, %swap3A_53] : memref<128x1024xf32, #tpu.memory_space<vmem>>, vector<128x128xf32>
    tpu.vector_store %arg8[%swap3A_52, %swap3A_53], %reduce_sum3A_51 {strides = array<i32>} : memref<128x1024xf32, #tpu.memory_space<vmem>>, vector<128x128xf32>,
    %get3A_55 = arith.constant 0 : index
    %get3A_56 = arith.constant 256 : index
    %get3A_57 = vector.load %arg5[%get3A_55, %get3A_56] : memref<16x1024xf32, #tpu.memory_space<vmem>>, vector<16x128xf32>
    %dot_general3A_58 = arith.constant dense<0.000000e+00> : vector<4096x128xf32>
    %dot_general3A_59 = tpu.matmul %max3A_31, %get3A_57, %dot_general3A_58 {dimension_numbers = #tpu.dot_dimension_numbers<[1], [0], [0], [1], [0, 0, 1, 1], [], []>, transpose_lhs_hint = false} : vector<4096x16xf32>, vector<16x128xf32>, vector<4096x128xf32> -> vector<4096x128xf32>
    %reshape3A_60 = vector.shape_cast %dot_general3A_59 : vector<4096x128xf32> to vector<1x32x128x128xf32>
    %squeeze3A_61 = vector.shape_cast %reshape3A_60 : vector<1x32x128x128xf32> to vector<32x128x128xf32>
    %mul3A_62 = arith.mulf %squeeze3A_61, %concatenate3A : vector<32x128x128xf32>
    %reduce_sum3A_63 = arith.constant dense<0.000000e+00> : vector<128x128xf32>
    %reduce_sum3A_64 = vector.multi_reduction <add>, %mul3A_62, %reduce_sum3A_63 [0] : vector<32x128x128xf32> to vector<128x128xf32>
    %swap3A_65 = arith.constant 0 : index
    %swap3A_66 = arith.constant 256 : index
    %swap3A_67 = vector.load %arg8[%swap3A_65, %swap3A_66] : memref<128x1024xf32, #tpu.memory_space<vmem>>, vector<128x128xf32>
    tpu.vector_store %arg8[%swap3A_65, %swap3A_66], %reduce_sum3A_64 {strides = array<i32>} : memref<128x1024xf32, #tpu.memory_space<vmem>>, vector<128x128xf32>,
    %get3A_68 = arith.constant 0 : index
    %get3A_69 = arith.constant 384 : index
    %get3A_70 = vector.load %arg5[%get3A_68, %get3A_69] : memref<16x1024xf32, #tpu.memory_space<vmem>>, vector<16x128xf32>
    %dot_general3A_71 = arith.constant dense<0.000000e+00> : vector<4096x128xf32>
    %dot_general3A_72 = tpu.matmul %max3A_31, %get3A_70, %dot_general3A_71 {dimension_numbers = #tpu.dot_dimension_numbers<[1], [0], [0], [1], [0, 0, 1, 1], [], []>, transpose_lhs_hint = false} : vector<4096x16xf32>, vector<16x128xf32>, vector<4096x128xf32> -> vector<4096x128xf32>
    %reshape3A_73 = vector.shape_cast %dot_general3A_72 : vector<4096x128xf32> to vector<1x32x128x128xf32>
    %squeeze3A_74 = vector.shape_cast %reshape3A_73 : vector<1x32x128x128xf32> to vector<32x128x128xf32>
    %mul3A_75 = arith.mulf %squeeze3A_74, %concatenate3A : vector<32x128x128xf32>
    %reduce_sum3A_76 = arith.constant dense<0.000000e+00> : vector<128x128xf32>
    %reduce_sum3A_77 = vector.multi_reduction <add>, %mul3A_75, %reduce_sum3A_76 [0] : vector<32x128x128xf32> to vector<128x128xf32>
    %swap3A_78 = arith.constant 0 : index
    %swap3A_79 = arith.constant 384 : index
    %swap3A_80 = vector.load %arg8[%swap3A_78, %swap3A_79] : memref<128x1024xf32, #tpu.memory_space<vmem>>, vector<128x128xf32>
    tpu.vector_store %arg8[%swap3A_78, %swap3A_79], %reduce_sum3A_77 {strides = array<i32>} : memref<128x1024xf32, #tpu.memory_space<vmem>>, vector<128x128xf32>,
    %get3A_81 = arith.constant 0 : index
    %get3A_82 = arith.constant 512 : index
    %get3A_83 = vector.load %arg5[%get3A_81, %get3A_82] : memref<16x1024xf32, #tpu.memory_space<vmem>>, vector<16x128xf32>
    %dot_general3A_84 = arith.constant dense<0.000000e+00> : vector<4096x128xf32>
    %dot_general3A_85 = tpu.matmul %max3A_31, %get3A_83, %dot_general3A_84 {dimension_numbers = #tpu.dot_dimension_numbers<[1], [0], [0], [1], [0, 0, 1, 1], [], []>, transpose_lhs_hint = false} : vector<4096x16xf32>, vector<16x128xf32>, vector<4096x128xf32> -> vector<4096x128xf32>
    %reshape3A_86 = vector.shape_cast %dot_general3A_85 : vector<4096x128xf32> to vector<1x32x128x128xf32>
    %squeeze3A_87 = vector.shape_cast %reshape3A_86 : vector<1x32x128x128xf32> to vector<32x128x128xf32>
    %mul3A_88 = arith.mulf %squeeze3A_87, %concatenate3A : vector<32x128x128xf32>
    %reduce_sum3A_89 = arith.constant dense<0.000000e+00> : vector<128x128xf32>
    %reduce_sum3A_90 = vector.multi_reduction <add>, %mul3A_88, %reduce_sum3A_89 [0] : vector<32x128x128xf32> to vector<128x128xf32>
    %swap3A_91 = arith.constant 0 : index
    %swap3A_92 = arith.constant 512 : index
    %swap3A_93 = vector.load %arg8[%swap3A_91, %swap3A_92] : memref<128x1024xf32, #tpu.memory_space<vmem>>, vector<128x128xf32>
    tpu.vector_store %arg8[%swap3A_91, %swap3A_92], %reduce_sum3A_90 {strides = array<i32>} : memref<128x1024xf32, #tpu.memory_space<vmem>>, vector<128x128xf32>,
    %get3A_94 = arith.constant 0 : index
    %get3A_95 = arith.constant 640 : index
    %get3A_96 = vector.load %arg5[%get3A_94, %get3A_95] : memref<16x1024xf32, #tpu.memory_space<vmem>>, vector<16x128xf32>
    %dot_general3A_97 = arith.constant dense<0.000000e+00> : vector<4096x128xf32>
    %dot_general3A_98 = tpu.matmul %max3A_31, %get3A_96, %dot_general3A_97 {dimension_numbers = #tpu.dot_dimension_numbers<[1], [0], [0], [1], [0, 0, 1, 1], [], []>, transpose_lhs_hint = false} : vector<4096x16xf32>, vector<16x128xf32>, vector<4096x128xf32> -> vector<4096x128xf32>
    %reshape3A_99 = vector.shape_cast %dot_general3A_98 : vector<4096x128xf32> to vector<1x32x128x128xf32>
    %squeeze3A_100 = vector.shape_cast %reshape3A_99 : vector<1x32x128x128xf32> to vector<32x128x128xf32>
    %mul3A_101 = arith.mulf %squeeze3A_100, %concatenate3A : vector<32x128x128xf32>
    %reduce_sum3A_102 = arith.constant dense<0.000000e+00> : vector<128x128xf32>
    %reduce_sum3A_103 = vector.multi_reduction <add>, %mul3A_101, %reduce_sum3A_102 [0] : vector<32x128x128xf32> to vector<128x128xf32>
    %swap3A_104 = arith.constant 0 : index
    %swap3A_105 = arith.constant 640 : index
    %swap3A_106 = vector.load %arg8[%swap3A_104, %swap3A_105] : memref<128x1024xf32, #tpu.memory_space<vmem>>, vector<128x128xf32>
    tpu.vector_store %arg8[%swap3A_104, %swap3A_105], %reduce_sum3A_103 {strides = array<i32>} : memref<128x1024xf32, #tpu.memory_space<vmem>>, vector<128x128xf32>,
    %get3A_107 = arith.constant 0 : index
    %get3A_108 = arith.constant 768 : index
    %get3A_109 = vector.load %arg5[%get3A_107, %get3A_108] : memref<16x1024xf32, #tpu.memory_space<vmem>>, vector<16x128xf32>
    %dot_general3A_110 = arith.constant dense<0.000000e+00> : vector<4096x128xf32>
    %dot_general3A_111 = tpu.matmul %max3A_31, %get3A_109, %dot_general3A_110 {dimension_numbers = #tpu.dot_dimension_numbers<[1], [0], [0], [1], [0, 0, 1, 1], [], []>, transpose_lhs_hint = false} : vector<4096x16xf32>, vector<16x128xf32>, vector<4096x128xf32> -> vector<4096x128xf32>
    %reshape3A_112 = vector.shape_cast %dot_general3A_111 : vector<4096x128xf32> to vector<1x32x128x128xf32>
    %squeeze3A_113 = vector.shape_cast %reshape3A_112 : vector<1x32x128x128xf32> to vector<32x128x128xf32>
    %mul3A_114 = arith.mulf %squeeze3A_113, %concatenate3A : vector<32x128x128xf32>
    %reduce_sum3A_115 = arith.constant dense<0.000000e+00> : vector<128x128xf32>
    %reduce_sum3A_116 = vector.multi_reduction <add>, %mul3A_114, %reduce_sum3A_115 [0] : vector<32x128x128xf32> to vector<128x128xf32>
    %swap3A_117 = arith.constant 0 : index
    %swap3A_118 = arith.constant 768 : index
    %swap3A_119 = vector.load %arg8[%swap3A_117, %swap3A_118] : memref<128x1024xf32, #tpu.memory_space<vmem>>, vector<128x128xf32>
    tpu.vector_store %arg8[%swap3A_117, %swap3A_118], %reduce_sum3A_116 {strides = array<i32>} : memref<128x1024xf32, #tpu.memory_space<vmem>>, vector<128x128xf32>,
    %get3A_120 = arith.constant 0 : index
    %get3A_121 = arith.constant 896 : index
    %get3A_122 = vector.load %arg5[%get3A_120, %get3A_121] : memref<16x1024xf32, #tpu.memory_space<vmem>>, vector<16x128xf32>
    %dot_general3A_123 = arith.constant dense<0.000000e+00> : vector<4096x128xf32>
    %dot_general3A_124 = tpu.matmul %max3A_31, %get3A_122, %dot_general3A_123 {dimension_numbers = #tpu.dot_dimension_numbers<[1], [0], [0], [1], [0, 0, 1, 1], [], []>, transpose_lhs_hint = false} : vector<4096x16xf32>, vector<16x128xf32>, vector<4096x128xf32> -> vector<4096x128xf32>
    %reshape3A_125 = vector.shape_cast %dot_general3A_124 : vector<4096x128xf32> to vector<1x32x128x128xf32>
    %squeeze3A_126 = vector.shape_cast %reshape3A_125 : vector<1x32x128x128xf32> to vector<32x128x128xf32>
    %mul3A_127 = arith.mulf %squeeze3A_126, %concatenate3A : vector<32x128x128xf32>
    %reduce_sum3A_128 = arith.constant dense<0.000000e+00> : vector<128x128xf32>
    %reduce_sum3A_129 = vector.multi_reduction <add>, %mul3A_127, %reduce_sum3A_128 [0] : vector<32x128x128xf32> to vector<128x128xf32>
    %swap3A_130 = arith.constant 0 : index
    %swap3A_131 = arith.constant 896 : index
    %swap3A_132 = vector.load %arg8[%swap3A_130, %swap3A_131] : memref<128x1024xf32, #tpu.memory_space<vmem>>, vector<128x128xf32>
    tpu.vector_store %arg8[%swap3A_130, %swap3A_131], %reduce_sum3A_129 {strides = array<i32>} : memref<128x1024xf32, #tpu.memory_space<vmem>>, vector<128x128xf32>,
    %get3A_133 = arith.constant 0 : index
    %get3A_134 = arith.constant 0 : index
    %get3A_135 = vector.load %arg8[%get3A_133, %get3A_134] : memref<128x1024xf32, #tpu.memory_space<vmem>>, vector<128x1024xf32>
    %get3A_136 = arith.constant 0 : index
    %get3A_137 = arith.constant 0 : index
    %get3A_138 = vector.load %arg6[%get3A_136, %get3A_137] : memref<1024x64xf32, #tpu.memory_space<vmem>>, vector<1024x64xf32>
    %dot_general3A_139 = arith.constant dense<0.000000e+00> : vector<128x64xf32>
    %dot_general3A_140 = tpu.matmul %get3A_135, %get3A_138, %dot_general3A_139 {dimension_numbers = #tpu.dot_dimension_numbers<[1], [0], [0], [1], [0, 0, 1, 1], [], []>, transpose_lhs_hint = false} : vector<128x1024xf32>, vector<1024x64xf32>, vector<128x64xf32> -> vector<128x64xf32>
    %swap3A_141 = arith.constant 0 : index
    %swap3A_142 = arith.constant 0 : index
    %swap3A_143 = vector.load %arg7[%swap3A_141, %swap3A_142] : memref<128x64xf32, #tpu.memory_space<vmem>>, vector<128x64xf32>
    tpu.vector_store %arg7[%swap3A_141, %swap3A_142], %dot_general3A_140 {strides = array<i32>} : memref<128x64xf32, #tpu.memory_space<vmem>>, vector<128x64xf32>,
    return
  }
  func.func @transform_0(%arg0: i32) -> (i32, i32, i32) {
    %c0_i32 = arith.constant 0 : i32
    %c0_i32_0 = arith.constant 0 : i32
    %c0_i32_1 = arith.constant 0 : i32
    return %c0_i32, %arg0, %c0_i32_0 : i32, i32, i32
  }
  func.func @transform_1(%arg0: i32) -> (i32, i32) {
    %c0_i32 = arith.constant 0 : i32
    %c0_i32_0 = arith.constant 0 : i32
    return %arg0, %c0_i32 : i32, i32
  }
  func.func @transform_2(%arg0: i32) -> (i32, i32) {
    %c0_i32 = arith.constant 0 : i32
    %c0_i32_0 = arith.constant 0 : i32
    %c0_i32_1 = arith.constant 0 : i32
    return %c0_i32, %c0_i32_0 : i32, i32
  }
  func.func @transform_3(%arg0: i32) -> (i32, i32) {
    %c0_i32 = arith.constant 0 : i32
    %c0_i32_0 = arith.constant 0 : i32
    %c0_i32_1 = arith.constant 0 : i32
    return %c0_i32, %c0_i32_0 : i32, i32
  }
  func.func @transform_4(%arg0: i32) -> (i32, i32) {
    %c0_i32 = arith.constant 0 : i32
    %c0_i32_0 = arith.constant 0 : i32
    %c0_i32_1 = arith.constant 0 : i32
    return %c0_i32, %c0_i32_0 : i32, i32
  }
  func.func @transform_5(%arg0: i32) -> (i32, i32) {
    %c0_i32 = arith.constant 0 : i32
    %c0_i32_0 = arith.constant 0 : i32
    %c0_i32_1 = arith.constant 0 : i32
    return %c0_i32, %c0_i32_0 : i32, i32
  }
  func.func @transform_6(%arg0: i32) -> (i32, i32) {
    %c0_i32 = arith.constant 0 : i32
    %c0_i32_0 = arith.constant 0 : i32
    return %arg0, %c0_i32 : i32, i32
  }
}

</mosaic_0001>

<sc_bundles>
// kernel: kernel.4.cloned.1.call-start
scs
__scs_entry_jumppad:
0x0: {  	(pc) =	sbr.rel $0x88, $3  }
0x1: {  	(tag) =	ssettag $0x0;
	lr =	simm.s32 $0x1  }
0x2: {  	[smem:$0x3F9B] =	sst lr;
	_ =	strace $0xD0000000  }
0x3: {  	_ = 	snop  }
0x4: {  	_ = 	snop  }
0x5: {  	_ = 	snop  }
0x6: {  	_ = 	snop  }
0x7: {  	_ = 	snop  }
__scs_overlays_trampoline_lowered:
0x8: {  	[smem:$0x3FAA] =	sst s0  }
0x9: {  	[smem:$0x3FAB] =	sst s1  }
0xa: {  	[smem:$0x3FAC] =	sst s2  }
0xb: {  	[smem:$0x3FAD] =	sst s3  }
0xc: {  	[smem:$0x3FAE] =	sst s4  }
0xd: {  	[smem:$0x3FAF] =	sst s5  }
0xe: {  	[smem:$0x3FB0] =	sst s6  }
0xf: {  	[smem:$0x3FB1] =	sst s7  }
0x10: {  	[smem:$0x3FB2] =	sst s8  }
0x11: {  	[smem:$0x3FB3] =	sst s9;
	s0 =	simm.s32 @!p0 $0x0  }
0x12: {  	s1 =	sld [smem:$0x3F99];
	s0 =	simm.s32 @p0 $0x1  }
0x13: {  	[smem:$0x3FB4] =	sst s0;
	s0 =	simm.s32 @!p1 $0x0  }
0x14: {  	s2 =	sld [smem:$0x3F98];
	s0 =	simm.s32 @p1 $0x1  }
0x15: {  	[smem:$0x3FB5] =	sst s0;
	s0 =	simm.s32 @!p2 $0x0  }
0x16: {  	s3 =	sld [smem:$0x3FDB];
	s0 =	simm.s32 @p2 $0x1  }
0x17: {  	s4 =	simm.s32 $0x1BF5;
	[smem:$0x3FB7] =	sst s0  }
0x18: {  	s0 =	sld [smem:$0x3F9A];
	_ =	swait.ge [sflag:s4], $0x0  }
0x19: {  	s7 =	sld [smem:$0x3F9B]  }
0x1a: {  	s8 =	sadd.s32 $0xFFFFE003, lr  }
0x1b: {  	s9 =	sadd.s32 $0xFFFFFEF7, lr;
	s5 =	simm.s32 $0xFFFFFFFF;
	p2 =	slt.u32 s8, $0xFFFFF086  }
0x1c: {  	p1 =	slt.u32 s9, $0xF7A;
	s5 =	simm.s32 @!p2 $0x0  }
0x1d: {  	s5 =	simm.s32 @p1 $0x1;
	p0 =	seq.s32 s7, s2  }
0x1e: {  	s7 =	smul.u32 @!p0 $0xF7A, s2;
	p2 =	seq.s32 @!p0 s5, $0x0  }
0x1f: {  	s9 =	smul.u32 $0xF7A, s1;
	s8 =	simm.s32 @!p0 $0x1BF5;
	p2 =	por !p2, p0  }
0x20: {  	[sflag:s8] =	ssyncset.s32 @!p0 $0xFFFFF086;
	s6 =	sadd.s32 @!p0 s3, s7;
	s7 =	simm.s32 @!p0 $0x108  }
0x21: {  	s3 =	sadd.s32 s3, s9;
	s6 =	sadd.s32 @!p0 $0x88, s6;
	s7 =	simm.s32 @p2 $0x1082  }
0x22: {  	[simem:s7], [sflag:s8] =	dma.local @!p0 [hbm:s6], $0xF7A  }
0x23: {  	s9 =	sor.u32 $0xD0000000, s2;
	s6 =	simm.s32 $0x108;
	_ =	swait.ge @!p0 [sflag:s8], $0x0  }
0x24: {  	s3 =	sadd.s32 $0x88, s3;
	s6 =	simm.s32 @!p1 $0x1082;
	[sflag:s4] =	ssyncset.s32 $0xFFFFF086  }
0x25: {  	[simem:s6], [sflag:s4] =	dma.local [hbm:s3], $0xF7A  }
0x26: {  	[smem:$0x3F9B] =	sst s1;
	(tag) =	ssettag s2;
	_ =	strace s9  }
0x27: {  	s1 =	sld [smem:$0x3FAB]  }
0x28: {  	s2 =	sld [smem:$0x3FAC]  }
0x29: {  	s4 =	sld [smem:$0x3FAE]  }
0x2a: {  	p0 =	seq.s32 s5, $0x0;
	s5 =	sld [smem:$0x3FAF]  }
0x2b: {  	s6 =	sld [smem:$0x3FB0]  }
0x2c: {  	s7 =	sld [smem:$0x3FB1]  }
0x2d: {  	s3 =	simm.s32 $0x108;
	s8 =	sld [smem:$0x3FB2]  }
0x2e: {  	s3 =	simm.s32 @!p0 $0x1082;
	s9 =	sld [smem:$0x3FB3]  }
0x2f: {  	lr =	sadd.s32 s0, s3;
	s0 =	sld [smem:$0x3FAA]  }
0x30: {  	s3 =	sld [smem:$0x3FAD]  }
0x31: {  	[smem:$0x3FB6] =	sst s10  }
0x32: {  	s10 =	sld [smem:$0x3FB4];
	_ =	sdelay $0x3  }
0x33: {  	p0 =	seq.s32 s10, $0x1;
	s10 =	sld [smem:$0x3FB6];
	_ =	sdelay $0x3  }
0x34: {  	[smem:$0x3FB6] =	sst s10  }
0x35: {  	s10 =	sld [smem:$0x3FB5];
	_ =	sdelay $0x3  }
0x36: {  	p1 =	seq.s32 s10, $0x1;
	s10 =	sld [smem:$0x3FB6];
	_ =	sdelay $0x3  }
0x37: {  	[smem:$0x3FB6] =	sst s10  }
0x38: {  	s10 =	sld [smem:$0x3FB7]  }
0x39: {  	_ = 	snop;
	(pc) =	sbr.ind lr, $3  }
0x3a: {  	_ = 	snop  }
0x3b: {  	_ = 	snop  }
0x3c: {  	p2 =	seq.s32 s10, $0x1;
	s10 =	sld [smem:$0x3FB6]  }
0x3d: {  	_ =	shalt  }
0x3e: {  	_ =	shalt  }
0x3f: {  	_ =	shalt  }
0x40: {  	_ =	shalt  }
0x41: {  	_ =	shalt  }
0x42: {  	_ =	shalt  }
0x43: {  	_ =	shalt  }
0x44: {  	_ =	shalt  }
0x45: {  	_ =	shalt  }
0x46: {  	_ =	shalt  }
0x47: {  	_ =	shalt  }
0x48: {  	_ =	shalt  }
0x49: {  	_ =	shalt  }
0x4a: {  	_ =	shalt  }
0x4b: {  	_ =	shalt  }
0x4c: {  	_ =	shalt  }
0x4d: {  	_ =	shalt  }
0x4e: {  	_ =	shalt  }
0x4f: {  	_ =	shalt  }
0x50: {  	_ =	shalt  }
0x51: {  	_ =	shalt  }
0x52: {  	_ =	shalt  }
0x53: {  	_ =	shalt  }
0x54: {  	_ =	shalt  }
0x55: {  	_ =	shalt  }
0x56: {  	_ =	shalt  }
0x57: {  	_ =	shalt  }
0x58: {  	_ =	shalt  }
0x59: {  	_ =	shalt  }
0x5a: {  	_ =	shalt  }
0x5b: {  	_ =	shalt  }
0x5c: {  	_ =	shalt  }
0x5d: {  	_ =	shalt  }
0x5e: {  	_ =	shalt  }
0x5f: {  	_ =	shalt  }
0x60: {  	_ =	shalt  }
0x61: {  	_ =	shalt  }
0x62: {  	_ =	shalt  }
0x63: {  	_ =	shalt  }
0x64: {  	_ =	shalt  }
0x65: {  	_ =	shalt  }
0x66: {  	_ =	shalt  }
0x67: {  	_ =	shalt  }
0x68: {  	_ =	shalt  }
0x69: {  	_ =	shalt  }
0x6a: {  	_ =	shalt  }
0x6b: {  	_ =	shalt  }
0x6c: {  	_ =	shalt  }
0x6d: {  	_ =	shalt  }
0x6e: {  	_ =	shalt  }
0x6f: {  	_ =	shalt  }
0x70: {  	_ =	shalt  }
0x71: {  	_ =	shalt  }
0x72: {  	_ =	shalt  }
0x73: {  	_ =	shalt  }
0x74: {  	_ =	shalt  }
0x75: {  	_ =	shalt  }
0x76: {  	_ =	shalt  }
0x77: {  	_ =	shalt  }
0x78: {  	_ =	shalt  }
0x79: {  	_ =	shalt  }
0x7a: {  	_ =	shalt  }
0x7b: {  	_ =	shalt  }
0x7c: {  	_ =	shalt  }
0x7d: {  	_ =	shalt  }
0x7e: {  	_ =	shalt  }
0x7f: {  	_ =	shalt  }
0x80: {  	_ =	shalt  }
0x81: {  	_ =	shalt  }
0x82: {  	_ =	shalt  }
0x83: {  	_ =	shalt  }
0x84: {  	_ =	shalt  }
0x85: {  	_ =	shalt  }
0x86: {  	_ =	shalt  }
0x87: {  	_ =	shalt  }
.Lfunc_end0:
.L_simem_size_0:
called_computation_lowered:
.L_overlay_start_0:
0x88: {  	s2 =	sld [smem:$0x3FD9]  }
0x89: {  	s3 =	sld [smem:$0x3FFE];
	_ =	sdelay $0x1  }
0x8a: {  	s1 =	srdreg.scid  }
0x8b: {  	s0 =	sand.u32 $0x1, s1  }
0x8c: {  	s17 =	sshll.u32 s0, $0xA;
	s2 =	sadd.s32 s3, s2  }
0x8d: {  	s2 =	sadd.s32 s2, s17  }
0x8e: {  	[smem:$0x3FC2] =	sst s2  }
0x8f: {  	_ = 	snop  }
0x90: {  	s2 =	sld [smem:$0x3FD0];
	(tm) =	ssettm $0x1  }
0x91: {  	s18 =	sld [smem:$0x3FFB];
	_ =	sdelay $0x3  }
0x92: {  	_ =	strace s18  }
0x93: {  	s3 =	sld [smem:$0x3FFC];
	_ =	sdelay $0x3  }
0x94: {  	_ =	strace s3  }
0x95: {  	s3 =	sld [smem:$0x3FFD];
	_ =	sdelay $0x3  }
0x96: {  	_ =	strace s3  }
0x97: {  	_ =	strace $0x8FFFFFFF  }
0x98: {  	s19 =	sld [smem:$0x3FDB];
	_ =	sdelay $0x1  }
0x99: {  	s4 =	simm.s32 $_scs_section_size  }
0x9a: {  	s5 =	simm.s32 $_size__tile_overlayer_lowered;
	s6 =	simm.s32 $_tile_overlayer_lowered  }
0x9b: {  	s22 =	simm.s32 $0x1BFF;
	s21 =	sshll.u32 s6, $0x1;
	s3 =	sadd.s32 s4, s19  }
0x9c: {  	s7 =	simm.s32 $0x0;
	s20 =	sshll.u32 s5, $0x1;
	s5 =	sadd.s32 s21, s3  }
0x9d: {  	[timem:s7], [sflag:s22] =	dma.local [hbm:s5], s20  }
0x9e: {  	_ =	swait.ge [sflag:s22], s20  }
0x9f: {  	s4 =	ssub.s32 $0x0, s20;
	[sflag:s22] =	ssyncset.done $0x0  }
0xa0: {  	[sflag:s22] =	ssyncadd.s32 s4;
	_ =	sdelay $0x1  }
0xa1: {  	s23 =	simm.s32 $0x1B8B  }
0xa2: {  	_ =	swait.ge [sflag:s23], $0x1  }
0xa3: {  	[sflag:s23] =	ssyncset.done $0x0  }
0xa4: {  	s25 =	simm.s32 $0x1B8E;
	s24 =	sld [smem:$0x3FFE];
	[sflag:s23] =	ssyncadd.s32 $0xFFFFFFFF  }
0xa5: {  	s26 =	simm.s32 $execute0_lowered;
	[smem:$0x3FD2] =	sst s25  }
0xa6: {  	s5 =	sshll.u32 s26, $0x1;
	_ =	strace $0x80000046;
	[dreg:$0x1] =	wrdreg $0xFFFFFFFF  }
0xa7: {  	s28 =	simm.s32 $_size_execute0_lowered;
	s3 =	sadd.s32 s3, s5;
	[dreg:$0x0] =	wrdreg $0x0  }
0xa8: {  	s5 =	sshll.u32 s28, $0x1;
	[dreg:$0x2] =	wrdreg s3  }
0xa9: {  	[dreg:$0x3] =	wrdreg s5  }
0xaa: {  	[dreg:$0x4] =	wrdreg $0xC0  }
0xab: {  	_ =	task [dreg:s7], $0x5FFFF  }
0xac: {  	[dreg:$0x1] =	wrdreg $0xFFFFFFFF  }
0xad: {  	[dreg:$0x0] =	wrdreg $0x60  }
0xae: {  	[dreg:$0x2] =	wrdreg s2  }
0xaf: {  	[dreg:$0x3] =	wrdreg s24  }
0xb0: {  	[dreg:$0x4] =	wrdreg $0xC4000  }
0xb1: {  	[dreg:$0x5] =	wrdreg $0x9  }
0xb2: {  	_ =	task.clear_ibuf [dreg:s7], $0x6FFFF;
	_ =	strace $0x90000046  }
0xb3: {  	s29 =	simm.s32 $0x9;
	_ =	strace $0x80000048  }
0xb4: {  	_ =	swait.ge [sflag:s29], $0x1  }
0xb5: {  	[sflag:s29] =	ssyncadd.s32 $0xFFFFFFFF  }
0xb6: {  	_ =	strace $0x90000048  }
0xb7: {  	_ =	sfence  }
0xb8: {  	s30 =	sld [smem:$0x0];
	_ =	sdelay $0x2  }
0xb9: {  	s31 =	sshll.u32 s1, $0xD;
	s1 =	sshrl.u32 s1, $0x2  }
0xba: {  	s3 =	sand.u32 $0x4000, s31;
	s1 =	sadd.s32 s1, s30  }
0xbb: {  	s0 =	sor.u32 s3, s0;
	s1 =	sshll.u32 s1, $0x11  }
0xbc: {  	s0 =	sor.u32 s1, s0  }
0xbd: {  	s0 =	sadd.s32 $0x8F2B, s0  }
0xbe: {  	[sflag:s0] =	ssyncadd.remote.s32 $0x1  }
0xbf: {  	_ =	sfence.sel $0xFFFF  }
0xc0: {  	[dreg:$0x0] =	wrdreg $0xFFFFFFFF;
	(pc) =	sbr.abs _section_cstart, $3  }
0xc1: {  	[dreg:$0x1] =	wrdreg $0xFFFFFFFF  }
0xc2: {  	_ =	task.clear_ibuf [dreg:s7], $0x2FFFF;
	_ =	strace $0x9FFFFFFF  }
0xc3: {  	(tm) =	ssettm $0x7FFFFFFF  }
tec
execute0_lowered:
.L_overlay_start_1:
0x0: {  	(tag) =	ssettag $0x1  }
0x1: {  	s0 =	rddreg [dreg:$0x0]  }
0x2: {  	s1 =	rddreg [dreg:$0x1]  }
0x3: {  	s2 =	rddreg [dreg:$0x2];
	s4 =	srdreg.scid;
	s3 =	simm.s32 $0x0  }
0x4: {  	s10 =	stileid.u32;
	s28 =	simm.s32 $0x200;
	s29 =	simm.s32 $0x6400  }
0x5: {  	s30 =	simm.s32 $0x280;
	s31 =	simm.s32 $0x7C00;
	s5 =	smul.u32 $0x3C000, s10  }
0x6: {  	s4 =	sand.u32 $0x1, s4;
	[smem:$0x7FF] =	sst s3;
	s8 =	smul.u32 $0xF000, s10  }
0x7: {  	s9 =	sadd.s32 $0xC00, s1;
	s10 =	smul.u32 $0xA000, s10;
	s6 =	ssub.s32 $0x2, s4  }
0x8: {  	_ =	strace $0x80000047;
	s7 =	sshrl.u32 s6, $0x1;
	s1 =	sadd.s32 s5, s1  }
0x9: {  	s12 =	sshrl.u32 s8, $0x3;
	s13 =	sadd.s32 $0x3000, s8;
	s14 =	sadd.s32 s8, s2  }
0xa: {  	s17 =	sadd.s32 $0x6000, s8;
	s19 =	sadd.s32 $0x9000, s8;
	s22 =	sadd.s32 $0xC000, s8  }
0xb: {  	s8 =	simm.s32 $0x0;
	s11 =	ssub.s32 s6, s7;
	[dreg:$0x6] =	wrdreg s14  }
0xc: {  	s15 =	sshrl.u32 s13, $0x3;
	s16 =	sadd.s32 s13, s2;
	s18 =	sshrl.u32 s17, $0x3  }
0xd: {  	s20 =	sshrl.u32 s19, $0x3;
	s23 =	sshrl.u32 s22, $0x3;
	s7 =	sadd.s32 s19, s2  }
0xe: {  	s19 =	simm.s32 $0x4;
	s5 =	smax.u32 s11, $0x1;
	[dreg:$0x8] =	wrdreg s16  }
0xf: {  	s6 =	sadd.s32 s0, s18;
	s11 =	smul.u32 $0x5000, s4;
	[dreg:$0xc] =	wrdreg s7  }
0x10: {  	s21 =	sadd.s32 s0, s20;
	s4 =	smul.u32 $0x1E000, s4;
	[dreg:$0x4] =	wrdreg s5  }
0x11: {  	s18 =	simm.s32 $0x400;
	s20 =	simm.s32 $0x80;
	[dreg:$0x9] =	wrdreg s6  }
0x12: {  	s7 =	simm.s32 $0x3;
	s5 =	sadd.s32 s0, s12;
	[dreg:$0xb] =	wrdreg s21  }
0x13: {  	s21 =	simm.s32 $0x1C00;
	[dreg:$0x5] =	wrdreg s5;
	s5 =	sadd.s32 s0, s15  }
0x14: {  	s24 =	sadd.s32 s11, s10;
	s0 =	sadd.s32 s0, s23;
	s1 =	sadd.s32 s4, s1  }
0x15: {  	s23 =	simm.s32 $0x3400;
	s4 =	simm.s32 $0x380;
	[dreg:$0x7] =	wrdreg s5  }
0x16: {  	s5 =	sadd.s32 s17, s2;
	[dreg:$0xd] =	wrdreg s0;
	s25 =	sor.u32 $0x200, s24  }
0x17: {  	s15 =	sadd.s32 $0x14C00, s1;
	s26 =	sshrl.u32 s24, $0x3;
	s24 =	simm.s32 $0x180  }
0x18: {  	s1 =	simm.s32 $0x9400;
	[dreg:$0xa] =	wrdreg s5;
	s5 =	sadd.s32 s22, s2  }
0x19: {  	s0 =	sshrl.u32 s25, $0x3;
	s17 =	sadd.s32 s26, s9;
	s22 =	simm.s32 $0x100  }
0x1a: {  	s25 =	simm.s32 $0x4C00;
	s26 =	simm.s32 $0x1;
	[dreg:$0xe] =	wrdreg s5  }
0x1b: {  	s16 =	sadd.s32 s0, s9;
	s0 =	simm.s32 $0x300;
	s5 =	simm.s32 $0xAC00  }
.LBB2_1:
0x1c: {  	s6 =	rddreg [dreg:$0x5]  }
0x1d: {  	[tilespmem:s18], [sflag:$0x4] =	stream.linear.gather [hbm4b:s6+s3], $0x3000, $0x38;
	[tilespmem:$0x1B400] =	vst v63  }
0x1e: {  	_ =	swait.ge [sflag:s19], $0x3000  }
0x1f: {  	[sflag:s19] =	ssyncset.done $0x0  }
0x20: {  	s12 =	rddreg [dreg:$0x6];
	[sflag:s19] =	ssyncadd.s32 $0xFFFFD000  }
0x21: {  	[spmem:s12] =	stream.linear.scatter [tilespmem:s18], [sflag:$0x4], $0x3000, $0x38;
	[tilespmem:$0x1B400] =	vst v63  }
0x22: {  	_ =	swait.ge [sflag:s19], $0x3000  }
0x23: {  	[sflag:s19] =	ssyncset.done $0x0  }
0x24: {  	s13 =	rddreg [dreg:$0x7];
	[sflag:s19] =	ssyncadd.s32 $0xFFFFD000  }
0x25: {  	[tilespmem:s18], [sflag:$0x4] =	stream.linear.gather [hbm4b:s13+s3], $0x3000, $0x38;
	[tilespmem:$0x1B400] =	vst v63  }
0x26: {  	_ =	swait.ge [sflag:s19], $0x3000  }
0x27: {  	[sflag:s19] =	ssyncset.done $0x0  }
0x28: {  	s14 =	rddreg [dreg:$0x8];
	[sflag:s19] =	ssyncadd.s32 $0xFFFFD000  }
0x29: {  	[spmem:s14] =	stream.linear.scatter [tilespmem:s18], [sflag:$0x4], $0x3000, $0x38;
	[tilespmem:$0x1B400] =	vst v63  }
0x2a: {  	_ =	swait.ge [sflag:s19], $0x3000  }
0x2b: {  	[sflag:s19] =	ssyncset.done $0x0  }
0x2c: {  	s9 =	rddreg [dreg:$0x9];
	[sflag:s19] =	ssyncadd.s32 $0xFFFFD000  }
0x2d: {  	[tilespmem:s18], [sflag:$0x4] =	stream.linear.gather [hbm4b:s9+s3], $0x3000, $0x38;
	[tilespmem:$0x1B400] =	vst v63  }
0x2e: {  	_ =	swait.ge [sflag:s19], $0x3000  }
0x2f: {  	[sflag:s19] =	ssyncset.done $0x0  }
0x30: {  	s10 =	rddreg [dreg:$0xa];
	[sflag:s19] =	ssyncadd.s32 $0xFFFFD000  }
0x31: {  	[spmem:s10] =	stream.linear.scatter [tilespmem:s18], [sflag:$0x4], $0x3000, $0x38;
	[tilespmem:$0x1B400] =	vst v63  }
0x32: {  	_ =	swait.ge [sflag:s19], $0x3000  }
0x33: {  	[sflag:s19] =	ssyncset.done $0x0  }
0x34: {  	s11 =	rddreg [dreg:$0xb];
	[sflag:s19] =	ssyncadd.s32 $0xFFFFD000  }
0x35: {  	[tilespmem:s18], [sflag:$0x4] =	stream.linear.gather [hbm4b:s11+s3], $0x3000, $0x38;
	[tilespmem:$0x1B400] =	vst v63  }
0x36: {  	_ =	swait.ge [sflag:s19], $0x3000  }
0x37: {  	[sflag:s19] =	ssyncset.done $0x0  }
0x38: {  	s12 =	rddreg [dreg:$0xc];
	[sflag:s19] =	ssyncadd.s32 $0xFFFFD000  }
0x39: {  	[spmem:s12] =	stream.linear.scatter [tilespmem:s18], [sflag:$0x4], $0x3000, $0x38;
	[tilespmem:$0x1B400] =	vst v63  }
0x3a: {  	_ =	swait.ge [sflag:s19], $0x3000  }
0x3b: {  	[sflag:s19] =	ssyncset.done $0x0  }
0x3c: {  	s13 =	rddreg [dreg:$0xd];
	[sflag:s19] =	ssyncadd.s32 $0xFFFFD000  }
0x3d: {  	[tilespmem:s18], [sflag:$0x4] =	stream.linear.gather [hbm4b:s13+s3], $0x3000, $0x38;
	[tilespmem:$0x1B400] =	vst v63  }
0x3e: {  	_ =	swait.ge [sflag:s19], $0x3000  }
0x3f: {  	[sflag:s19] =	ssyncset.done $0x0  }
0x40: {  	s14 =	rddreg [dreg:$0xe];
	[sflag:s19] =	ssyncadd.s32 $0xFFFFD000  }
0x41: {  	[spmem:s14] =	stream.linear.scatter [tilespmem:s18], [sflag:$0x4], $0x3000, $0x38;
	[tilespmem:$0x1B400] =	vst v63  }
0x42: {  	_ =	swait.ge [sflag:s19], $0x3000  }
0x43: {  	[sflag:s19] =	ssyncset.done $0x0  }
0x44: {  	p0 =	por $0x1, $0x1;
	[sflag:s19] =	ssyncadd.s32 $0xFFFFD000  }
0x45: {  	s9 =	simm.s32 @!p0 $0x2;
	[bflag:$0x0] =	sbarrier.arrive $0xFFFF  }
0x46: {  	_ =	swait.ge @!p0 [sflag:s9], $0x6000  }
0x47: {  	[sflag:s9] =	ssyncset.done @!p0 $0x0  }
0x48: {  	[sflag:s9] =	ssyncadd.s32 @!p0 $0xFFFFA000  }
0x49: {  	[tilespmem:s3], [sflag:$0x4] =	stream.linear.gather [hbm4b:s17+s3], $0x200, $0x38;
	[tilespmem:$0x1B400] =	vst v63  }
0x4a: {  	_ =	swait.ge [sflag:s19], $0x200  }
0x4b: {  	[sflag:s19] =	ssyncset.done $0x0  }
0x4c: {  	[sflag:s19] =	ssyncadd.s32 $0xFFFFFE00  }
0x4d: {  	[tilespmem:s18], [sflag:$0x1] =	stream.indirect.gather [spmem:s2], $0x30, s3, s20, $0xb8;
	[tilespmem:$0x1B400] =	vst v63  }
0x4e: {  	_ = 	snop  }
0x4f: {  	[tilespmem:s21], [sflag:$0x1] =	stream.indirect.gather [spmem:s2], $0x30, s20, s20, $0xb8;
	[tilespmem:$0x1B400] =	vst v63  }
0x50: {  	_ = 	snop  }
0x51: {  	[tilespmem:s23], [sflag:$0x1] =	stream.indirect.gather [spmem:s2], $0x30, s22, s20, $0xb8;
	[tilespmem:$0x1B400] =	vst v63  }
0x52: {  	_ = 	snop  }
0x53: {  	[tilespmem:s25], [sflag:$0x1] =	stream.indirect.gather [spmem:s2], $0x30, s24, s20, $0xb8;
	[tilespmem:$0x1B400] =	vst v63  }
0x54: {  	_ =	swait.ge [sflag:s26], $0x1800  }
0x55: {  	[sflag:s26] =	ssyncset.done $0x0  }
0x56: {  	[sflag:s26] =	ssyncadd.s32 $0xFFFFE800  }
0x57: {  	_ =	swait.ge [sflag:s26], $0x1800  }
0x58: {  	[sflag:s26] =	ssyncset.done $0x0  }
0x59: {  	[sflag:s26] =	ssyncadd.s32 $0xFFFFE800  }
0x5a: {  	_ =	swait.ge [sflag:s26], $0x1800  }
0x5b: {  	[sflag:s26] =	ssyncset.done $0x0  }
0x5c: {  	[sflag:s26] =	ssyncadd.s32 $0xFFFFE800  }
0x5d: {  	_ =	swait.ge [sflag:s26], $0x1800  }
0x5e: {  	[sflag:s26] =	ssyncset.done $0x0  }
0x5f: {  	s13 =	sadd.s32 $0x0, s15;
	s9 =	simm.s32 @!p0 $0x3;
	[sflag:s26] =	ssyncadd.s32 $0xFFFFE800  }
0x60: {  	[hbm4b:s13+s3] =	stream.linear.scatter [tilespmem:s18], [sflag:$0x2], $0x6000, $0x38;
	[tilespmem:$0x1B400] =	vst v63  }
0x61: {  	_ =	swait.ge @!p0 [sflag:s9], $0x6000  }
0x62: {  	[sflag:s9] =	ssyncset.done @!p0 $0x0  }
0x63: {  	[sflag:s9] =	ssyncadd.s32 @!p0 $0xFFFFA000  }
0x64: {  	[tilespmem:s28], [sflag:$0x4] =	stream.linear.gather [hbm4b:s16+s3], $0x200, $0x38;
	[tilespmem:$0x1B400] =	vst v63  }
0x65: {  	_ =	swait.ge [sflag:s19], $0x200  }
0x66: {  	[sflag:s19] =	ssyncset.done $0x0  }
0x67: {  	[sflag:s19] =	ssyncadd.s32 $0xFFFFFE00  }
0x68: {  	[tilespmem:s29], [sflag:$0x1] =	stream.indirect.gather [spmem:s2], $0x30, s28, s20, $0xb8;
	[tilespmem:$0x1B400] =	vst v63  }
0x69: {  	_ = 	snop  }
0x6a: {  	[tilespmem:s31], [sflag:$0x1] =	stream.indirect.gather [spmem:s2], $0x30, s30, s20, $0xb8;
	[tilespmem:$0x1B400] =	vst v63  }
0x6b: {  	_ = 	snop  }
0x6c: {  	[tilespmem:s1], [sflag:$0x1] =	stream.indirect.gather [spmem:s2], $0x30, s0, s20, $0xb8;
	[tilespmem:$0x1B400] =	vst v63  }
0x6d: {  	_ = 	snop  }
0x6e: {  	[tilespmem:s5], [sflag:$0x1] =	stream.indirect.gather [spmem:s2], $0x30, s4, s20, $0xb8;
	[tilespmem:$0x1B400] =	vst v63  }
0x6f: {  	_ =	swait.ge [sflag:s26], $0x1800  }
0x70: {  	[sflag:s26] =	ssyncset.done $0x0  }
0x71: {  	[sflag:s26] =	ssyncadd.s32 $0xFFFFE800  }
0x72: {  	_ =	swait.ge [sflag:s26], $0x1800  }
0x73: {  	[sflag:s26] =	ssyncset.done $0x0  }
0x74: {  	[sflag:s26] =	ssyncadd.s32 $0xFFFFE800  }
0x75: {  	_ =	swait.ge [sflag:s26], $0x1800  }
0x76: {  	[sflag:s26] =	ssyncset.done $0x0  }
0x77: {  	s10 =	simm.s32 $0x1800;
	s11 =	sadd.s32 $0x80, s17;
	[sflag:s26] =	ssyncadd.s32 $0xFFFFE800  }
0x78: {  	s12 =	simm.s32 $0x3000;
	s13 =	sadd.s32 $0xC00, s13;
	_ =	swait.ge [sflag:s26], $0x1800  }
0x79: {  	s9 =	sadd.s32 $0x80, s16;
	p0 =	por $0x0, $0x0;
	[sflag:s26] =	ssyncset.done $0x0  }
.LBB2_2:
0x7a: {  	s14 =	simm.s32 @!p0 $0x2  }
0x7b: {  	[sflag:s26] =	ssyncadd.s32 $0xFFFFE800;
	s6 =	smov.u32 s12;
	s12 =	sadd.s32 $0x1800, s12  }
0x7c: {  	[hbm4b:s13+s3] =	stream.linear.scatter [tilespmem:s29], [sflag:$0x3], $0x6000, $0x38;
	[tilespmem:$0x1B400] =	vst v63  }
0x7d: {  	p1 =	sne.s32 s12, $0x1E000;
	_ =	swait.ge @!p0 [sflag:s14], $0x6000  }
0x7e: {  	[sflag:s14] =	ssyncset.done @!p0 $0x0  }
0x7f: {  	[sflag:s14] =	ssyncadd.s32 @!p0 $0xFFFFA000  }
0x80: {  	[tilespmem:s3], [sflag:$0x4] =	stream.linear.gather [hbm4b:s11+s3], $0x200, $0x38;
	[tilespmem:$0x1B400] =	vst v63  }
0x81: {  	_ =	swait.ge [sflag:s19], $0x200  }
0x82: {  	[sflag:s19] =	ssyncset.done $0x0  }
0x83: {  	[sflag:s19] =	ssyncadd.s32 $0xFFFFFE00  }
0x84: {  	[tilespmem:s18], [sflag:$0x1] =	stream.indirect.gather [spmem:s2], $0x30, s3, s20, $0xb8;
	[tilespmem:$0x1B400] =	vst v63  }
0x85: {  	_ = 	snop  }
0x86: {  	[tilespmem:s21], [sflag:$0x1] =	stream.indirect.gather [spmem:s2], $0x30, s20, s20, $0xb8;
	[tilespmem:$0x1B400] =	vst v63  }
0x87: {  	_ = 	snop  }
0x88: {  	[tilespmem:s23], [sflag:$0x1] =	stream.indirect.gather [spmem:s2], $0x30, s22, s20, $0xb8;
	[tilespmem:$0x1B400] =	vst v63  }
0x89: {  	_ = 	snop  }
0x8a: {  	[tilespmem:s25], [sflag:$0x1] =	stream.indirect.gather [spmem:s2], $0x30, s24, s20, $0xb8;
	[tilespmem:$0x1B400] =	vst v63  }
0x8b: {  	_ =	swait.ge [sflag:s26], $0x1800  }
0x8c: {  	[sflag:s26] =	ssyncset.done $0x0  }
0x8d: {  	[sflag:s26] =	ssyncadd.s32 $0xFFFFE800  }
0x8e: {  	_ =	swait.ge [sflag:s26], $0x1800  }
0x8f: {  	[sflag:s26] =	ssyncset.done $0x0  }
0x90: {  	[sflag:s26] =	ssyncadd.s32 $0xFFFFE800  }
0x91: {  	_ =	swait.ge [sflag:s26], $0x1800  }
0x92: {  	[sflag:s26] =	ssyncset.done $0x0  }
0x93: {  	[sflag:s26] =	ssyncadd.s32 $0xFFFFE800  }
0x94: {  	_ =	swait.ge [sflag:s26], $0x1800  }
0x95: {  	[sflag:s26] =	ssyncset.done $0x0  }
0x96: {  	s13 =	sadd.s32 s10, s15;
	s14 =	simm.s32 @!p0 $0x3;
	[sflag:s26] =	ssyncadd.s32 $0xFFFFE800  }
0x97: {  	[hbm4b:s13+s3] =	stream.linear.scatter [tilespmem:s18], [sflag:$0x2], $0x6000, $0x38;
	[tilespmem:$0x1B400] =	vst v63  }
0x98: {  	s10 =	smov.u32 s6;
	_ =	swait.ge @!p0 [sflag:s14], $0x6000  }
0x99: {  	[sflag:s14] =	ssyncset.done @!p0 $0x0  }
0x9a: {  	[sflag:s14] =	ssyncadd.s32 @!p0 $0xFFFFA000  }
0x9b: {  	[tilespmem:s28], [sflag:$0x4] =	stream.linear.gather [hbm4b:s9+s3], $0x200, $0x38;
	[tilespmem:$0x1B400] =	vst v63  }
0x9c: {  	_ =	swait.ge [sflag:s19], $0x200  }
0x9d: {  	[sflag:s19] =	ssyncset.done $0x0  }
0x9e: {  	[sflag:s19] =	ssyncadd.s32 $0xFFFFFE00  }
0x9f: {  	[tilespmem:s29], [sflag:$0x1] =	stream.indirect.gather [spmem:s2], $0x30, s28, s20, $0xb8;
	[tilespmem:$0x1B400] =	vst v63  }
0xa0: {  	_ = 	snop  }
0xa1: {  	[tilespmem:s31], [sflag:$0x1] =	stream.indirect.gather [spmem:s2], $0x30, s30, s20, $0xb8;
	[tilespmem:$0x1B400] =	vst v63  }
0xa2: {  	_ = 	snop  }
0xa3: {  	[tilespmem:s1], [sflag:$0x1] =	stream.indirect.gather [spmem:s2], $0x30, s0, s20, $0xb8;
	[tilespmem:$0x1B400] =	vst v63  }
0xa4: {  	_ = 	snop  }
0xa5: {  	[tilespmem:s5], [sflag:$0x1] =	stream.indirect.gather [spmem:s2], $0x30, s4, s20, $0xb8;
	[tilespmem:$0x1B400] =	vst v63  }
0xa6: {  	_ =	swait.ge [sflag:s26], $0x1800  }
0xa7: {  	[sflag:s26] =	ssyncset.done $0x0  }
0xa8: {  	[sflag:s26] =	ssyncadd.s32 $0xFFFFE800  }
0xa9: {  	_ =	swait.ge [sflag:s26], $0x1800  }
0xaa: {  	[sflag:s26] =	ssyncset.done $0x0  }
0xab: {  	[sflag:s26] =	ssyncadd.s32 $0xFFFFE800  }
.Ltmp0:
0xac: {  	_ =	swait.ge [sflag:s26], $0x1800;
	(pc) =	sbr.rel @p1 .LBB2_2-.Ltmp0, $4  }
0xad: {  	[sflag:s26] =	ssyncset.done $0x0  }
0xae: {  	[sflag:s26] =	ssyncadd.s32 $0xFFFFE800  }
0xaf: {  	s11 =	sadd.s32 $0x80, s11;
	s9 =	sadd.s32 $0x80, s9;
	_ =	swait.ge [sflag:s26], $0x1800  }
0xb0: {  	s13 =	sadd.s32 $0xC00, s13;
	p0 =	seq.s32 s10, $0x0;
	[sflag:s26] =	ssyncset.done $0x0  }
0xb1: {  	[sflag:s26] =	ssyncadd.s32 $0xFFFFE800;
	s6 =	simm.s32 @!p0 $0x2  }
0xb2: {  	[hbm4b:s13+s3] =	stream.linear.scatter [tilespmem:s29], [sflag:$0x3], $0x6000, $0x38;
	[tilespmem:$0x1B400] =	vst v63  }
0xb3: {  	_ =	swait.ge @!p0 [sflag:s6], $0x6000  }
0xb4: {  	[sflag:s6] =	ssyncset.done @!p0 $0x0  }
0xb5: {  	[sflag:s6] =	ssyncadd.s32 @!p0 $0xFFFFA000  }
0xb6: {  	[tilespmem:s3], [sflag:$0x4] =	stream.linear.gather [hbm4b:s11+s3], $0x200, $0x38;
	[tilespmem:$0x1B400] =	vst v63  }
0xb7: {  	_ =	swait.ge [sflag:s19], $0x200  }
0xb8: {  	[sflag:s19] =	ssyncset.done $0x0  }
0xb9: {  	[sflag:s19] =	ssyncadd.s32 $0xFFFFFE00  }
0xba: {  	[tilespmem:s18], [sflag:$0x1] =	stream.indirect.gather [spmem:s2], $0x30, s3, s20, $0xb8;
	[tilespmem:$0x1B400] =	vst v63  }
0xbb: {  	_ = 	snop  }
0xbc: {  	[tilespmem:s21], [sflag:$0x1] =	stream.indirect.gather [spmem:s2], $0x30, s20, s20, $0xb8;
	[tilespmem:$0x1B400] =	vst v63  }
0xbd: {  	_ = 	snop  }
0xbe: {  	[tilespmem:s23], [sflag:$0x1] =	stream.indirect.gather [spmem:s2], $0x30, s22, s20, $0xb8;
	[tilespmem:$0x1B400] =	vst v63  }
0xbf: {  	_ = 	snop  }
0xc0: {  	[tilespmem:s25], [sflag:$0x1] =	stream.indirect.gather [spmem:s2], $0x30, s24, s20, $0xb8;
	[tilespmem:$0x1B400] =	vst v63  }
0xc1: {  	_ =	swait.ge [sflag:s26], $0x1800  }
0xc2: {  	[sflag:s26] =	ssyncset.done $0x0  }
0xc3: {  	[sflag:s26] =	ssyncadd.s32 $0xFFFFE800  }
0xc4: {  	_ =	swait.ge [sflag:s26], $0x1800  }
0xc5: {  	[sflag:s26] =	ssyncset.done $0x0  }
0xc6: {  	[sflag:s26] =	ssyncadd.s32 $0xFFFFE800  }
0xc7: {  	_ =	swait.ge [sflag:s26], $0x1800  }
0xc8: {  	[sflag:s26] =	ssyncset.done $0x0  }
0xc9: {  	[sflag:s26] =	ssyncadd.s32 $0xFFFFE800  }
0xca: {  	_ =	swait.ge [sflag:s26], $0x1800  }
0xcb: {  	[sflag:s26] =	ssyncset.done $0x0  }
0xcc: {  	s12 =	sadd.s32 s10, s15;
	s10 =	simm.s32 @!p0 $0x3;
	[sflag:s26] =	ssyncadd.s32 $0xFFFFE800  }
0xcd: {  	[hbm4b:s12+s3] =	stream.linear.scatter [tilespmem:s18], [sflag:$0x2], $0x6000, $0x38;
	[tilespmem:$0x1B400] =	vst v63  }
0xce: {  	_ =	swait.ge @!p0 [sflag:s10], $0x6000  }
0xcf: {  	[sflag:s10] =	ssyncset.done @!p0 $0x0  }
0xd0: {  	[sflag:s10] =	ssyncadd.s32 @!p0 $0xFFFFA000  }
0xd1: {  	[tilespmem:s28], [sflag:$0x4] =	stream.linear.gather [hbm4b:s9+s3], $0x200, $0x38;
	[tilespmem:$0x1B400] =	vst v63  }
0xd2: {  	_ =	swait.ge [sflag:s19], $0x200  }
0xd3: {  	[sflag:s19] =	ssyncset.done $0x0  }
0xd4: {  	[sflag:s19] =	ssyncadd.s32 $0xFFFFFE00  }
0xd5: {  	[tilespmem:s29], [sflag:$0x1] =	stream.indirect.gather [spmem:s2], $0x30, s28, s20, $0xb8;
	[tilespmem:$0x1B400] =	vst v63  }
0xd6: {  	_ = 	snop  }
0xd7: {  	[tilespmem:s31], [sflag:$0x1] =	stream.indirect.gather [spmem:s2], $0x30, s30, s20, $0xb8;
	[tilespmem:$0x1B400] =	vst v63  }
0xd8: {  	_ = 	snop  }
0xd9: {  	[tilespmem:s1], [sflag:$0x1] =	stream.indirect.gather [spmem:s2], $0x30, s0, s20, $0xb8;
	[tilespmem:$0x1B400] =	vst v63  }
0xda: {  	_ = 	snop  }
0xdb: {  	[tilespmem:s5], [sflag:$0x1] =	stream.indirect.gather [spmem:s2], $0x30, s4, s20, $0xb8;
	[tilespmem:$0x1B400] =	vst v63  }
0xdc: {  	_ =	swait.ge [sflag:s26], $0x1800  }
0xdd: {  	[sflag:s26] =	ssyncset.done $0x0  }
0xde: {  	[sflag:s26] =	ssyncadd.s32 $0xFFFFE800  }
0xdf: {  	_ =	swait.ge [sflag:s26], $0x1800  }
0xe0: {  	[sflag:s26] =	ssyncset.done $0x0  }
0xe1: {  	[sflag:s26] =	ssyncadd.s32 $0xFFFFE800  }
0xe2: {  	_ =	swait.ge [sflag:s26], $0x1800  }
0xe3: {  	[sflag:s26] =	ssyncset.done $0x0  }
0xe4: {  	[sflag:s26] =	ssyncadd.s32 $0xFFFFE800  }
0xe5: {  	_ =	swait.ge [sflag:s26], $0x1800  }
0xe6: {  	[sflag:s26] =	ssyncset.done $0x0  }
0xe7: {  	s13 =	simm.s32 $0x2;
	s6 =	sadd.s32 $0xC00, s12;
	[sflag:s26] =	ssyncadd.s32 $0xFFFFE800  }
0xe8: {  	[hbm4b:s6+s3] =	stream.linear.scatter [tilespmem:s29], [sflag:$0x3], $0x6000, $0x38;
	[tilespmem:$0x1B400] =	vst v63  }
0xe9: {  	_ =	swait.ge [sflag:s13], $0x6000  }
0xea: {  	[sflag:s13] =	ssyncset.done $0x0  }
0xeb: {  	[sflag:s13] =	ssyncadd.s32 $0xFFFFA000  }
0xec: {  	_ =	swait.ge [sflag:s7], $0x6000  }
0xed: {  	s8 =	sadd.s32 $0x1, s8;
	s14 =	rddreg [dreg:$0x4]  }
0xee: {  	p0 =	sne.s32 s8, s14  }
.Ltmp1:
0xef: {  	_ = 	snop;
	(pc) =	sbr.rel @p0 .LBB2_1-.Ltmp1, $3  }
0xf0: {  	_ =	sdelay $0x1  }
0xf1: {  	[sflag:s7] =	ssyncset.done $0x0  }
0xf2: {  	[sflag:s7] =	ssyncadd.s32 $0xFFFFA000  }
0xf3: {  	_ =	sfence.sel $0x180000  }
0xf4: {  	[bflag:$0x0] =	sbarrier.arrive $0xFFFF  }
0xf5: {  	_ =	strace $0x90000047  }
0xf6: {  	s0 =	stileid.u32;
	[bflag:$0x2] =	sbarrier.arrive $0xFFFF  }
0xf7: {  	p0 =	sne.s32 s0, $0x0;
	s0 =	rddreg [dreg:$0x3]  }
0xf8: {  	s0 =	sadd.s32 @!p0 $0x100000, s0  }
0xf9: {  	[sflag:s0] =	ssyncadd.tile.s32 @!p0 $0x1;
	_ =	shalt  }
.Lfunc_end2:
_tile_overlayer_lowered:
.L_overlay_start_2:
0xfa: {  	(tag) =	ssettag $0x2  }
0xfb: {  	s0 =	rddreg [dreg:$0x0];
	s2 =	stileid.u32  }
0xfc: {  	s1 =	rddreg [dreg:$0x1];
	p0 =	sne.s32 s2, $0x0  }
0xfd: {  	s3 =	rddreg [dreg:$0x2];
	[bflag:$0x3] =	sbarrier.arrive $0xFFFF;
	s2 =	simm.s32 @!p0 $0x1C04  }
0xfe: {  	[timem:s3], [sflag:s2] =	dma.local @!p0 [hbm:s0], s1  }
0xff: {  	s0 =	simm.s32 @!p0 $0x4  }
0x100: {  	_ =	swait.ge @!p0 [sflag:s0], s1  }
0x101: {  	s1 =	ssub.s32 @!p0 $0x0, s1;
	[sflag:s0] =	ssyncset.done @!p0 $0x0  }
0x102: {  	[sflag:s0] =	ssyncadd.s32 @!p0 s1  }
0x103: {  	[bflag:$0x3] =	sbarrier.arrive $0xFFFF  }
0x104: {  	_ =	shalt  }

</sc_bundles>
